<compile_context>
chip_gen: v7x
topology: tpu7x:2x2x1
jax: 0.10.2.dev20260603
libtpu: 0.0.44.dev20260713+nightly
codegen_flags: <defaults>
</compile_context>

<pallas_src>
import functools

import jax
import jax.numpy as jnp
from jax import lax
from jax.experimental import pallas as pl
from jax.experimental.pallas import tpu as pltpu
from jax.experimental.pallas import tpu_sc as plsc

NC = 2
NS = 16
LANES = 16

CHUNK = 80
IROWS = 25



def _deg_kernel(n_pad, n_edges):
  ept = n_edges // (NC * NS)
  n_outer = ept // (CHUNK * IROWS)
  rpt = n_pad // NS
  mesh = plsc.VectorSubcoreMesh(core_axis_name="c", subcore_axis_name="s")

  def body(dst_hbm, zero_hbm, out_hbm, dst_v, ones_v, acc_sh):
    cid = lax.axis_index("c")
    sid = lax.axis_index("s")
    r0 = sid * rpt
    pltpu.sync_copy(zero_hbm.at[pl.ds(r0, rpt)], acc_sh.at[pl.ds(r0, rpt)])
    for k in range(CHUNK // LANES):
      ones_v[pl.ds(k * LANES, LANES)] = jnp.full((LANES,), 1.0, jnp.float32)
    plsc.subcore_barrier()

    row0 = (cid * NS + sid) * (ept // CHUNK)

    def outer(i, carry):
      pltpu.sync_copy(dst_hbm.at[pl.ds(row0 + i * IROWS, IROWS)], dst_v)

      def inner(j, c2):
        pltpu.sync_copy(ones_v, acc_sh.at[dst_v.at[j]], add=True)
        return c2

      return lax.fori_loop(0, IROWS, inner, carry)

    lax.fori_loop(0, n_outer, outer, 0)
    plsc.subcore_barrier()
    pltpu.sync_copy(acc_sh.at[pl.ds(r0, rpt)],
                    out_hbm.at[cid].at[pl.ds(r0, rpt)])

  return pl.kernel(
      body,
      out_type=jax.ShapeDtypeStruct((NC, n_pad), jnp.float32),
      mesh=mesh,
      compiler_params=pltpu.CompilerParams(use_tc_tiling_on_sc=False),
      scratch_types=[
          pltpu.VMEM((IROWS, CHUNK), jnp.int32),
          pltpu.VMEM((CHUNK,), jnp.float32),
          pltpu.VMEM_SHARED((n_pad,), jnp.float32),
      ],
  )


def _agg_kernel(n_nodes, n_pad, n_edges, d_half):
  ept = n_edges // NS
  n_outer = ept // (CHUNK * IROWS)
  rpt = n_pad // NS
  mesh = plsc.VectorSubcoreMesh(core_axis_name="c", subcore_axis_name="s")

  def body(t_hbm, src_hbm, dst_hbm, zero_hbm, out_hbm,
           src_v, dst_v, rows_v, acc_sh):
    cid = lax.axis_index("c")
    sid = lax.axis_index("s")
    r0 = sid * rpt
    pltpu.sync_copy(zero_hbm.at[pl.ds(r0, rpt)], acc_sh.at[pl.ds(r0, rpt)])
    plsc.subcore_barrier()

    off = cid * n_nodes
    row0 = sid * (ept // CHUNK)

    def outer(i, carry):
      pltpu.sync_copy(src_hbm.at[pl.ds(row0 + i * IROWS, IROWS)], src_v)
      pltpu.sync_copy(dst_hbm.at[pl.ds(row0 + i * IROWS, IROWS)], dst_v)

      def shift(j, c2):
        def shift16(k, c3):
          sl = (j, pl.ds(k * LANES, LANES))
          src_v[sl] = src_v[sl] + off
          return c3
        return lax.fori_loop(0, CHUNK // LANES, shift16, c2)

      lax.fori_loop(0, IROWS, shift, 0)

      def inner(j, c2):
        pltpu.sync_copy(t_hbm.at[src_v.at[j]], rows_v)
        pltpu.sync_copy(rows_v, acc_sh.at[dst_v.at[j]], add=True)
        return c2

      return lax.fori_loop(0, IROWS, inner, carry)

    lax.fori_loop(0, n_outer, outer, 0)
    plsc.subcore_barrier()
    pltpu.sync_copy(acc_sh.at[pl.ds(r0, rpt)],
                    out_hbm.at[cid].at[pl.ds(r0, rpt)])

  return pl.kernel(
      body,
      out_type=jax.ShapeDtypeStruct((NC, n_pad, d_half), jnp.float32),
      mesh=mesh,
      compiler_params=pltpu.CompilerParams(use_tc_tiling_on_sc=False),
      scratch_types=[
          pltpu.VMEM((IROWS, CHUNK), jnp.int32),
          pltpu.VMEM((IROWS, CHUNK), jnp.int32),
          pltpu.VMEM((CHUNK, d_half), jnp.float32),
          pltpu.VMEM_SHARED((n_pad, d_half), jnp.float32),
      ],
  )



_RB = 1000


def _tc_first(n, d_in, d_hid):
  d_half = d_hid // 2

  def body(x_ref, w_ref, dp_ref, out_ref):
    dinv = lax.rsqrt(dp_ref[0] + dp_ref[1] + 1.0)
    t = jnp.dot(x_ref[...], w_ref[...],
                preferred_element_type=jnp.float32) * dinv
    out_ref[0] = t[:, :d_half]
    out_ref[1] = t[:, d_half:]

  return pl.pallas_call(
      body,
      grid=(n // _RB,),
      in_specs=[
          pl.BlockSpec((_RB, d_in), lambda i: (i, 0)),
          pl.BlockSpec((d_in, d_hid), lambda i: (0, 0)),
          pl.BlockSpec((2, _RB, 1), lambda i: (0, i, 0)),
      ],
      out_specs=pl.BlockSpec((2, _RB, d_half), lambda i: (0, i, 0)),
      out_shape=jax.ShapeDtypeStruct((2, n, d_half), jnp.float32),
  )


def _tc_mid(n, d_hid):
  d_half = d_hid // 2

  def body(s_ref, t_ref, dp_ref, b_ref, w_ref, out_ref):
    dinv = lax.rsqrt(dp_ref[0] + dp_ref[1] + 1.0)
    h0 = jnp.maximum(dinv * (s_ref[0] + t_ref[0]) + b_ref[0, :d_half], 0.0)
    h1 = jnp.maximum(dinv * (s_ref[1] + t_ref[1]) + b_ref[0, d_half:], 0.0)
    u = (jnp.dot(h0, w_ref[:d_half, :], preferred_element_type=jnp.float32)
         + jnp.dot(h1, w_ref[d_half:, :], preferred_element_type=jnp.float32))
    u = u * dinv
    out_ref[0] = u[:, :d_half]
    out_ref[1] = u[:, d_half:]

  return pl.pallas_call(
      body,
      grid=(n // _RB,),
      in_specs=[
          pl.BlockSpec((2, _RB, d_half), lambda i: (0, i, 0)),
          pl.BlockSpec((2, _RB, d_half), lambda i: (0, i, 0)),
          pl.BlockSpec((2, _RB, 1), lambda i: (0, i, 0)),
          pl.BlockSpec((1, d_hid), lambda i: (0, 0)),
          pl.BlockSpec((d_hid, d_hid), lambda i: (0, 0)),
      ],
      out_specs=pl.BlockSpec((2, _RB, d_half), lambda i: (0, i, 0)),
      out_shape=jax.ShapeDtypeStruct((2, n, d_half), jnp.float32),
  )


def _tc_final(n, d_out):
  def body(s_ref, u_ref, dp_ref, bmu_ref, bls_ref, mu_ref, ls_ref):
    dinv = lax.rsqrt(dp_ref[0] + dp_ref[1] + 1.0)
    mu_ref[...] = dinv * (s_ref[0] + u_ref[0]) + bmu_ref[0]
    ls_ref[...] = dinv * (s_ref[1] + u_ref[1]) + bls_ref[0]

  return pl.pallas_call(
      body,
      grid=(n // _RB,),
      in_specs=[
          pl.BlockSpec((2, _RB, d_out), lambda i: (0, i, 0)),
          pl.BlockSpec((2, _RB, d_out), lambda i: (0, i, 0)),
          pl.BlockSpec((2, _RB, 1), lambda i: (0, i, 0)),
          pl.BlockSpec((1, d_out), lambda i: (0, 0)),
          pl.BlockSpec((1, d_out), lambda i: (0, 0)),
      ],
      out_specs=[
          pl.BlockSpec((_RB, d_out), lambda i: (i, 0)),
          pl.BlockSpec((_RB, d_out), lambda i: (i, 0)),
      ],
      out_shape=[
          jax.ShapeDtypeStruct((n, d_out), jnp.float32),
          jax.ShapeDtypeStruct((n, d_out), jnp.float32),
      ],
  )



@jax.jit
def kernel(x, edge_index, W1, b1, Wmu, bmu, Wls, bls):
  n, d_in = x.shape
  e = edge_index.shape[1]
  d_hid = W1.shape[1]
  d_half = d_hid // 2
  d_out = Wmu.shape[1]
  assert n % _RB == 0 and e % (NC * NS * CHUNK * IROWS) == 0
  n_pad = -(-n // (NS * 8)) * (NS * 8)

  src2d = edge_index[0].reshape(e // CHUNK, CHUNK)
  dst2d = edge_index[1].reshape(e // CHUNK, CHUNK)
  zeros2d = jnp.zeros((n_pad, d_half), jnp.float32)
  zeros1d = jnp.zeros((n_pad,), jnp.float32)

  degp = _deg_kernel(n_pad, e)(dst2d, zeros1d)
  degp3 = degp[:, :n, None]

  tp = _tc_first(n, d_in, d_hid)(x, W1, degp3)
  s1 = _agg_kernel(n, n_pad, e, d_half)(
      tp.reshape(2 * n, d_half), src2d, dst2d, zeros2d)[:, :n, :]

  wcat = jnp.concatenate([Wmu, Wls], axis=1)
  up = _tc_mid(n, d_hid)(s1, tp, degp3, b1.reshape(1, d_hid), wcat)
  s2 = _agg_kernel(n, n_pad, e, d_half)(
      up.reshape(2 * n, d_half), src2d, dst2d, zeros2d)[:, :n, :]

  mu, ls = _tc_final(n, d_out)(s2, up, degp3,
                               bmu.reshape(1, d_out), bls.reshape(1, d_out))
  return (mu, ls)

# --- scband reference (transcript-rebuilt; emitter-appended) ---
"""Pipeline reference for scband-variational-gcnencoder-32315333935771 (READ-ONLY COPY).

The authoritative reference and input builder live on the scoring server;
editing this copy changes nothing except your own understanding.
"""

import jax, jax.numpy as jnp
import numpy as np

N = 10000
E = 320000
D_IN = 128
D_HID = 256  # 2 * out_channels
D_OUT = 128  # out_channels


def setup_inputs(seed: int = 0) -> dict:
    key = jax.random.key(seed)
    ks = jax.random.split(key, 8)
    x = jax.random.normal(ks[0], (N, D_IN), dtype=jnp.float32)
    edge_index = jax.random.randint(ks[1], (2, E), 0, N, dtype=jnp.int32)
    W1 = jax.random.normal(ks[2], (D_IN, D_HID), dtype=jnp.float32) * (1.0 / np.sqrt(D_IN))
    b1 = jnp.zeros((D_HID,), dtype=jnp.float32)
    Wmu = jax.random.normal(ks[3], (D_HID, D_OUT), dtype=jnp.float32) * (1.0 / np.sqrt(D_HID))
    bmu = jnp.zeros((D_OUT,), dtype=jnp.float32)
    Wls = jax.random.normal(ks[4], (D_HID, D_OUT), dtype=jnp.float32) * (1.0 / np.sqrt(D_HID))
    bls = jnp.zeros((D_OUT,), dtype=jnp.float32)
    return {"x": x, "edge_index": edge_index, "W1": W1, "b1": b1, "Wmu": Wmu, "bmu": bmu, "Wls": Wls, "bls": bls}


def gcn_conv(x, edge_index, W, b, num_nodes):
    # PyG GCNConv: add self loops, symmetric normalization D^{-1/2}(A+I)D^{-1/2}, then linear.
    xw = x @ W
    loop = jnp.arange(num_nodes, dtype=edge_index.dtype)
    src = jnp.concatenate([edge_index[0], loop])
    dst = jnp.concatenate([edge_index[1], loop])
    deg = jnp.zeros((num_nodes,), xw.dtype).at[dst].add(1.0)
    dinv = jnp.where(deg > 0, deg ** -0.5, 0.0)
    norm = dinv[src] * dinv[dst]
    msg = xw[src] * norm[:, None]
    out = jnp.zeros((num_nodes, xw.shape[1]), xw.dtype).at[dst].add(msg)
    return out + b


def reference(x, edge_index, W1, b1, Wmu, bmu, Wls, bls):
    h = jax.nn.relu(gcn_conv(x, edge_index, W1, b1, N))
    # dropout is inactive in eval mode (training=False)
    mu = gcn_conv(h, edge_index, Wmu, bmu, N)
    logstd = gcn_conv(h, edge_index, Wls, bls, N)
    return (mu, logstd)

if __name__ == "__main__":
    import jax
    _d = setup_inputs()
    print(jax.jit(kernel)(*tuple(_d.values())))

</pallas_src>

<mosaic_0001>
#map = affine_map<(d0, d1) -> (0, 0)>
#map1 = affine_map<(d0, d1) -> (0)>
module attributes {stable_mosaic.version = 14 : i64} {
  func.func @body(%arg0: i32, %arg1: i32, %arg2: memref<4000x80xi32, #tpu.memory_space<hbm>>, %arg3: memref<10112xf32, #tpu.memory_space<hbm>>, %arg4: memref<2x10112xf32, #tpu.memory_space<hbm>>, %arg5: memref<25x80xi32, #tpu.memory_space<vmem>>, %arg6: memref<80xf32, #tpu.memory_space<vmem>>, %arg7: memref<10112xf32, #tpu.memory_space<vmem_shared>>) attributes {dimension_semantics = [#tpu.dimension_semantics<core_parallel>, #tpu.dimension_semantics<subcore_parallel>], iteration_bounds = array<i64: 2, 16>, scalar_prefetch = 0 : i64, scratch_operands = 3 : i64, tpu.core_type = #tpu.core_type<sc_vector_subcore>, window_params = [{transform_indices = #map}, {transform_indices = #map1}, {transform_indices = #map}]} {
    %mul3A = arith.constant 632 : i32
    %mul3A_0 = arith.muli %arg1, %mul3A : i32
    "tpu.region"() ({
      %run_scoped3A = tpu.sem_alloc : memref<!tpu.dma_semaphore, #tpu.memory_space<semaphore_mem>>
      %dma_start3A = tpu.memref_slice %arg7[%mul3A_0] : memref<10112xf32, #tpu.memory_space<vmem_shared>> -> memref<632xf32, #tpu.memory_space<vmem_shared>>
      %dma_start3A_39 = tpu.memref_slice %arg3[%mul3A_0] : memref<10112xf32, #tpu.memory_space<hbm>> -> memref<632xf32, #tpu.memory_space<hbm>>
      tpu.enqueue_dma source(%dma_start3A_39 : memref<632xf32, #tpu.memory_space<hbm>>) target(%dma_start3A : memref<632xf32, #tpu.memory_space<vmem_shared>>) target_semaphore(%run_scoped3A : memref<!tpu.dma_semaphore, #tpu.memory_space<semaphore_mem>>)
      %dma_wait3A = tpu.memref_slice %arg7[%mul3A_0] : memref<10112xf32, #tpu.memory_space<vmem_shared>> -> memref<632xf32, #tpu.memory_space<vmem_shared>>
      %dma_wait3A_40 = tpu.memref_slice %arg3[%mul3A_0] : memref<10112xf32, #tpu.memory_space<hbm>> -> memref<632xf32, #tpu.memory_space<hbm>>
      tpu.wait_dma2 semaphore(%run_scoped3A : memref<!tpu.dma_semaphore, #tpu.memory_space<semaphore_mem>>) src(%dma_wait3A_40 : memref<632xf32, #tpu.memory_space<hbm>>) dst(%dma_wait3A : memref<632xf32, #tpu.memory_space<vmem_shared>>)
      tpu.yield
    }) : () -> ()
    %broadcast_in_dim3A = arith.constant 1.000000e+00 : f32
    %broadcast_in_dim3A_1 = vector.broadcast %broadcast_in_dim3A : f32 to vector<16xf32>
    %swap3A = arith.constant 0 : index
    %swap3A_2 = tpu.vector_load %arg6[%swap3A] {strides = array<i32>} : memref<80xf32, #tpu.memory_space<vmem>>, vector<16xf32>,
    %swap3A_3 = vector.shape_cast %swap3A_2 : vector<16xf32> to vector<16xf32>
    %swap3A_4 = vector.shape_cast %broadcast_in_dim3A_1 : vector<16xf32> to vector<16xf32>
    tpu.vector_store %arg6[%swap3A], %swap3A_4 {strides = array<i32>} : memref<80xf32, #tpu.memory_space<vmem>>, vector<16xf32>,
    %broadcast_in_dim3A_5 = arith.constant 1.000000e+00 : f32
    %broadcast_in_dim3A_6 = vector.broadcast %broadcast_in_dim3A_5 : f32 to vector<16xf32>
    %swap3A_7 = arith.constant 16 : index
    %swap3A_8 = tpu.vector_load %arg6[%swap3A_7] {strides = array<i32>} : memref<80xf32, #tpu.memory_space<vmem>>, vector<16xf32>,
    %swap3A_9 = vector.shape_cast %swap3A_8 : vector<16xf32> to vector<16xf32>
    %swap3A_10 = vector.shape_cast %broadcast_in_dim3A_6 : vector<16xf32> to vector<16xf32>
    tpu.vector_store %arg6[%swap3A_7], %swap3A_10 {strides = array<i32>} : memref<80xf32, #tpu.memory_space<vmem>>, vector<16xf32>,
    %broadcast_in_dim3A_11 = arith.constant 1.000000e+00 : f32
    %broadcast_in_dim3A_12 = vector.broadcast %broadcast_in_dim3A_11 : f32 to vector<16xf32>
    %swap3A_13 = arith.constant 32 : index
    %swap3A_14 = tpu.vector_load %arg6[%swap3A_13] {strides = array<i32>} : memref<80xf32, #tpu.memory_space<vmem>>, vector<16xf32>,
    %swap3A_15 = vector.shape_cast %swap3A_14 : vector<16xf32> to vector<16xf32>
    %swap3A_16 = vector.shape_cast %broadcast_in_dim3A_12 : vector<16xf32> to vector<16xf32>
    tpu.vector_store %arg6[%swap3A_13], %swap3A_16 {strides = array<i32>} : memref<80xf32, #tpu.memory_space<vmem>>, vector<16xf32>,
    %broadcast_in_dim3A_17 = arith.constant 1.000000e+00 : f32
    %broadcast_in_dim3A_18 = vector.broadcast %broadcast_in_dim3A_17 : f32 to vector<16xf32>
    %swap3A_19 = arith.constant 48 : index
    %swap3A_20 = tpu.vector_load %arg6[%swap3A_19] {strides = array<i32>} : memref<80xf32, #tpu.memory_space<vmem>>, vector<16xf32>,
    %swap3A_21 = vector.shape_cast %swap3A_20 : vector<16xf32> to vector<16xf32>
    %swap3A_22 = vector.shape_cast %broadcast_in_dim3A_18 : vector<16xf32> to vector<16xf32>
    tpu.vector_store %arg6[%swap3A_19], %swap3A_22 {strides = array<i32>} : memref<80xf32, #tpu.memory_space<vmem>>, vector<16xf32>,
    %broadcast_in_dim3A_23 = arith.constant 1.000000e+00 : f32
    %broadcast_in_dim3A_24 = vector.broadcast %broadcast_in_dim3A_23 : f32 to vector<16xf32>
    %swap3A_25 = arith.constant 64 : index
    %swap3A_26 = tpu.vector_load %arg6[%swap3A_25] {strides = array<i32>} : memref<80xf32, #tpu.memory_space<vmem>>, vector<16xf32>,
    %swap3A_27 = vector.shape_cast %swap3A_26 : vector<16xf32> to vector<16xf32>
    %swap3A_28 = vector.shape_cast %broadcast_in_dim3A_24 : vector<16xf32> to vector<16xf32>
    tpu.vector_store %arg6[%swap3A_25], %swap3A_28 {strides = array<i32>} : memref<80xf32, #tpu.memory_space<vmem>>, vector<16xf32>,
    %barrier3A = arith.constant 0 : index
    tpu.barrier barrier_id(%barrier3A)
    %mul3A_29 = arith.constant 16 : i32
    %mul3A_30 = arith.muli %arg0, %mul3A_29 : i32
    %add3A = arith.addi %mul3A_30, %arg1 : i32
    %mul3A_31 = arith.constant 125 : i32
    %mul3A_32 = arith.muli %add3A, %mul3A_31 : i32
    %scan3A = arith.constant 0 : i32
    %scan3A_33 = arith.constant 0 : i32
    %scan3A_34 = arith.constant 5 : i32
    %scan3A_35 = arith.addi %scan3A_33, %scan3A_34 : i32
    %scan3A_36 = arith.constant 1 : i32
    scf.for %scan3A_39 = %scan3A_33 to %scan3A_35 step %scan3A_36  : i32 {
      %mul3A_40 = arith.constant 25 : i32
      %mul3A_41 = arith.muli %scan3A_39, %mul3A_40 : i32
      %add3A_42 = arith.addi %mul3A_32, %mul3A_41 : i32
      "tpu.region"() ({
        %run_scoped3A = tpu.sem_alloc : memref<!tpu.dma_semaphore, #tpu.memory_space<semaphore_mem>>
        %dma_start3A = arith.constant 0 : i32
        %dma_start3A_48 = tpu.memref_slice %arg2[%add3A_42, %dma_start3A] : memref<4000x80xi32, #tpu.memory_space<hbm>> -> memref<25x80xi32, #tpu.memory_space<hbm>>
        %dma_start3A_49 = arith.constant 0 : i32
        %dma_start3A_50 = tpu.memref_slice %arg2[%add3A_42, %dma_start3A_49] : memref<4000x80xi32, #tpu.memory_space<hbm>> -> memref<25x80xi32, #tpu.memory_space<hbm>>
        tpu.enqueue_dma source(%dma_start3A_50 : memref<25x80xi32, #tpu.memory_space<hbm>>) target(%arg5 : memref<25x80xi32, #tpu.memory_space<vmem>>) target_semaphore(%run_scoped3A : memref<!tpu.dma_semaphore, #tpu.memory_space<semaphore_mem>>)
        %dma_wait3A = arith.constant 0 : i32
        %dma_wait3A_51 = tpu.memref_slice %arg2[%add3A_42, %dma_wait3A] : memref<4000x80xi32, #tpu.memory_space<hbm>> -> memref<25x80xi32, #tpu.memory_space<hbm>>
        %dma_wait3A_52 = arith.constant 0 : i32
        %dma_wait3A_53 = tpu.memref_slice %arg2[%add3A_42, %dma_wait3A_52] : memref<4000x80xi32, #tpu.memory_space<hbm>> -> memref<25x80xi32, #tpu.memory_space<hbm>>
        tpu.wait_dma2 semaphore(%run_scoped3A : memref<!tpu.dma_semaphore, #tpu.memory_space<semaphore_mem>>) src(%dma_wait3A_53 : memref<25x80xi32, #tpu.memory_space<hbm>>) dst(%arg5 : memref<25x80xi32, #tpu.memory_space<vmem>>)
        tpu.yield
      }) : () -> ()
      %scan3A_43 = arith.constant 0 : i32
      %scan3A_44 = arith.constant 25 : i32
      %scan3A_45 = arith.addi %scan3A_43, %scan3A_44 : i32
      %scan3A_46 = arith.constant 1 : i32
      scf.for %scan3A_48 = %scan3A_43 to %scan3A_45 step %scan3A_46  : i32 {
        "tpu.region"() ({
          %run_scoped3A = tpu.sem_alloc : memref<!tpu.dma_semaphore, #tpu.memory_space<semaphore_mem>>
          %dma_start3A = arith.constant 0 : i32
          %dma_start3A_49 = tpu.memref_slice %arg5[%scan3A_48, %dma_start3A] : memref<25x80xi32, #tpu.memory_space<vmem>> -> memref<1x80xi32, #tpu.memory_space<vmem>>
          %dma_start3A_50 = tpu.memref_squeeze %dma_start3A_49 : memref<1x80xi32, #tpu.memory_space<vmem>> -> memref<80xi32, #tpu.memory_space<vmem>>
          %dma_start3A_51 = arith.constant 0 : i32
          %dma_start3A_52 = tpu.memref_slice %arg7[%dma_start3A_51] : memref<10112xf32, #tpu.memory_space<vmem_shared>> -> memref<10112xf32, #tpu.memory_space<vmem_shared>>
          tpu.enqueue_indirect_dma source(%arg6 : memref<80xf32, #tpu.memory_space<vmem>>) target(%dma_start3A_52 : memref<10112xf32, #tpu.memory_space<vmem_shared>>) offsets(%dma_start3A_50 : memref<80xi32, #tpu.memory_space<vmem>>) semaphore(%run_scoped3A : memref<!tpu.dma_semaphore, #tpu.memory_space<semaphore_mem>>) {add = true}
          %dma_wait3A = arith.constant 0 : i32
          %dma_wait3A_53 = tpu.memref_slice %arg5[%scan3A_48, %dma_wait3A] : memref<25x80xi32, #tpu.memory_space<vmem>> -> memref<1x80xi32, #tpu.memory_space<vmem>>
          %dma_wait3A_54 = tpu.memref_squeeze %dma_wait3A_53 : memref<1x80xi32, #tpu.memory_space<vmem>> -> memref<80xi32, #tpu.memory_space<vmem>>
          %dma_wait3A_55 = arith.constant 0 : i32
          %dma_wait3A_56 = tpu.memref_slice %arg7[%dma_wait3A_55] : memref<10112xf32, #tpu.memory_space<vmem_shared>> -> memref<10112xf32, #tpu.memory_space<vmem_shared>>
          tpu.wait_indirect_dma semaphore(%run_scoped3A : memref<!tpu.dma_semaphore, #tpu.memory_space<semaphore_mem>>) src(%arg6 : memref<80xf32, #tpu.memory_space<vmem>>) dst(%dma_wait3A_56 : memref<10112xf32, #tpu.memory_space<vmem_shared>>)
          tpu.yield
        }) : () -> ()
      }
      %scan3A_47 = arith.constant 25 : i32
    }
    %scan3A_37 = arith.constant 5 : i32
    %barrier3A_38 = arith.constant 0 : index
    tpu.barrier barrier_id(%barrier3A_38)
    "tpu.region"() ({
      %run_scoped3A = tpu.sem_alloc : memref<!tpu.dma_semaphore, #tpu.memory_space<semaphore_mem>>
      %dma_start3A = arith.constant 0 : i32
      %dma_start3A_39 = tpu.memref_slice %arg4[%arg0, %dma_start3A] : memref<2x10112xf32, #tpu.memory_space<hbm>> -> memref<1x10112xf32, #tpu.memory_space<hbm>>
      %dma_start3A_40 = tpu.memref_squeeze %dma_start3A_39 : memref<1x10112xf32, #tpu.memory_space<hbm>> -> memref<10112xf32, #tpu.memory_space<hbm>>
      %dma_start3A_41 = tpu.memref_slice %dma_start3A_40[%mul3A_0] : memref<10112xf32, #tpu.memory_space<hbm>> -> memref<632xf32, #tpu.memory_space<hbm>>
      %dma_start3A_42 = tpu.memref_slice %arg7[%mul3A_0] : memref<10112xf32, #tpu.memory_space<vmem_shared>> -> memref<632xf32, #tpu.memory_space<vmem_shared>>
      tpu.enqueue_dma source(%dma_start3A_42 : memref<632xf32, #tpu.memory_space<vmem_shared>>) target(%dma_start3A_41 : memref<632xf32, #tpu.memory_space<hbm>>) target_semaphore(%run_scoped3A : memref<!tpu.dma_semaphore, #tpu.memory_space<semaphore_mem>>)
      %dma_wait3A = arith.constant 0 : i32
      %dma_wait3A_43 = tpu.memref_slice %arg4[%arg0, %dma_wait3A] : memref<2x10112xf32, #tpu.memory_space<hbm>> -> memref<1x10112xf32, #tpu.memory_space<hbm>>
      %dma_wait3A_44 = tpu.memref_squeeze %dma_wait3A_43 : memref<1x10112xf32, #tpu.memory_space<hbm>> -> memref<10112xf32, #tpu.memory_space<hbm>>
      %dma_wait3A_45 = tpu.memref_slice %dma_wait3A_44[%mul3A_0] : memref<10112xf32, #tpu.memory_space<hbm>> -> memref<632xf32, #tpu.memory_space<hbm>>
      %dma_wait3A_46 = tpu.memref_slice %arg7[%mul3A_0] : memref<10112xf32, #tpu.memory_space<vmem_shared>> -> memref<632xf32, #tpu.memory_space<vmem_shared>>
      tpu.wait_dma2 semaphore(%run_scoped3A : memref<!tpu.dma_semaphore, #tpu.memory_space<semaphore_mem>>) src(%dma_wait3A_46 : memref<632xf32, #tpu.memory_space<vmem_shared>>) dst(%dma_wait3A_45 : memref<632xf32, #tpu.memory_space<hbm>>)
      tpu.yield
    }) : () -> ()
    return
  }
}

#map = affine_map<(d0, d1) -> (0, 0)>
#map1 = affine_map<(d0, d1) -> (0, 0, 0)>
module attributes {stable_mosaic.version = 14 : i64} {
  func.func @body(%arg0: i32, %arg1: i32, %arg2: memref<20000x128xf32, #tpu.memory_space<hbm>>, %arg3: memref<4000x80xi32, #tpu.memory_space<hbm>>, %arg4: memref<4000x80xi32, #tpu.memory_space<hbm>>, %arg5: memref<10112x128xf32, #tpu.memory_space<hbm>>, %arg6: memref<2x10112x128xf32, #tpu.memory_space<hbm>>, %arg7: memref<25x80xi32, #tpu.memory_space<vmem>>, %arg8: memref<25x80xi32, #tpu.memory_space<vmem>>, %arg9: memref<80x128xf32, #tpu.memory_space<vmem>>, %arg10: memref<10112x128xf32, #tpu.memory_space<vmem_shared>>) attributes {dimension_semantics = [#tpu.dimension_semantics<core_parallel>, #tpu.dimension_semantics<subcore_parallel>], iteration_bounds = array<i64: 2, 16>, scalar_prefetch = 0 : i64, scratch_operands = 4 : i64, tpu.core_type = #tpu.core_type<sc_vector_subcore>, window_params = [{transform_indices = #map}, {transform_indices = #map}, {transform_indices = #map}, {transform_indices = #map}, {transform_indices = #map1}]} {
    %mul3A = arith.constant 632 : i32
    %mul3A_0 = arith.muli %arg1, %mul3A : i32
    "tpu.region"() ({
      %run_scoped3A = tpu.sem_alloc : memref<!tpu.dma_semaphore, #tpu.memory_space<semaphore_mem>>
      %dma_start3A = arith.constant 0 : i32
      %dma_start3A_11 = tpu.memref_slice %arg10[%mul3A_0, %dma_start3A] : memref<10112x128xf32, #tpu.memory_space<vmem_shared>> -> memref<632x128xf32, #tpu.memory_space<vmem_shared>>
      %dma_start3A_12 = arith.constant 0 : i32
      %dma_start3A_13 = tpu.memref_slice %arg5[%mul3A_0, %dma_start3A_12] : memref<10112x128xf32, #tpu.memory_space<hbm>> -> memref<632x128xf32, #tpu.memory_space<hbm>>
      tpu.enqueue_dma source(%dma_start3A_13 : memref<632x128xf32, #tpu.memory_space<hbm>>) target(%dma_start3A_11 : memref<632x128xf32, #tpu.memory_space<vmem_shared>>) target_semaphore(%run_scoped3A : memref<!tpu.dma_semaphore, #tpu.memory_space<semaphore_mem>>)
      %dma_wait3A = arith.constant 0 : i32
      %dma_wait3A_14 = tpu.memref_slice %arg10[%mul3A_0, %dma_wait3A] : memref<10112x128xf32, #tpu.memory_space<vmem_shared>> -> memref<632x128xf32, #tpu.memory_space<vmem_shared>>
      %dma_wait3A_15 = arith.constant 0 : i32
      %dma_wait3A_16 = tpu.memref_slice %arg5[%mul3A_0, %dma_wait3A_15] : memref<10112x128xf32, #tpu.memory_space<hbm>> -> memref<632x128xf32, #tpu.memory_space<hbm>>
      tpu.wait_dma2 semaphore(%run_scoped3A : memref<!tpu.dma_semaphore, #tpu.memory_space<semaphore_mem>>) src(%dma_wait3A_16 : memref<632x128xf32, #tpu.memory_space<hbm>>) dst(%dma_wait3A_14 : memref<632x128xf32, #tpu.memory_space<vmem_shared>>)
      tpu.yield
    }) : () -> ()
    %barrier3A = arith.constant 0 : index
    tpu.barrier barrier_id(%barrier3A)
    %mul3A_1 = arith.constant 10000 : i32
    %mul3A_2 = arith.muli %arg0, %mul3A_1 : i32
    %mul3A_3 = arith.constant 250 : i32
    %mul3A_4 = arith.muli %arg1, %mul3A_3 : i32
    %scan3A = arith.constant 0 : i32
    %scan3A_5 = arith.constant 0 : i32
    %scan3A_6 = arith.constant 10 : i32
    %scan3A_7 = arith.addi %scan3A_5, %scan3A_6 : i32
    %scan3A_8 = arith.constant 1 : i32
    scf.for %scan3A_11 = %scan3A_5 to %scan3A_7 step %scan3A_8  : i32 {
      %mul3A_12 = arith.constant 25 : i32
      %mul3A_13 = arith.muli %scan3A_11, %mul3A_12 : i32
      %add3A = arith.addi %mul3A_4, %mul3A_13 : i32
      "tpu.region"() ({
        %run_scoped3A = tpu.sem_alloc : memref<!tpu.dma_semaphore, #tpu.memory_space<semaphore_mem>>
        %dma_start3A = arith.constant 0 : i32
        %dma_start3A_28 = tpu.memref_slice %arg3[%add3A, %dma_start3A] : memref<4000x80xi32, #tpu.memory_space<hbm>> -> memref<25x80xi32, #tpu.memory_space<hbm>>
        %dma_start3A_29 = arith.constant 0 : i32
        %dma_start3A_30 = tpu.memref_slice %arg3[%add3A, %dma_start3A_29] : memref<4000x80xi32, #tpu.memory_space<hbm>> -> memref<25x80xi32, #tpu.memory_space<hbm>>
        tpu.enqueue_dma source(%dma_start3A_30 : memref<25x80xi32, #tpu.memory_space<hbm>>) target(%arg7 : memref<25x80xi32, #tpu.memory_space<vmem>>) target_semaphore(%run_scoped3A : memref<!tpu.dma_semaphore, #tpu.memory_space<semaphore_mem>>)
        %dma_wait3A = arith.constant 0 : i32
        %dma_wait3A_31 = tpu.memref_slice %arg3[%add3A, %dma_wait3A] : memref<4000x80xi32, #tpu.memory_space<hbm>> -> memref<25x80xi32, #tpu.memory_space<hbm>>
        %dma_wait3A_32 = arith.constant 0 : i32
        %dma_wait3A_33 = tpu.memref_slice %arg3[%add3A, %dma_wait3A_32] : memref<4000x80xi32, #tpu.memory_space<hbm>> -> memref<25x80xi32, #tpu.memory_space<hbm>>
        tpu.wait_dma2 semaphore(%run_scoped3A : memref<!tpu.dma_semaphore, #tpu.memory_space<semaphore_mem>>) src(%dma_wait3A_33 : memref<25x80xi32, #tpu.memory_space<hbm>>) dst(%arg7 : memref<25x80xi32, #tpu.memory_space<vmem>>)
        tpu.yield
      }) : () -> ()
      %mul3A_14 = arith.constant 25 : i32
      %mul3A_15 = arith.muli %scan3A_11, %mul3A_14 : i32
      %add3A_16 = arith.addi %mul3A_4, %mul3A_15 : i32
      "tpu.region"() ({
        %run_scoped3A = tpu.sem_alloc : memref<!tpu.dma_semaphore, #tpu.memory_space<semaphore_mem>>
        %dma_start3A = arith.constant 0 : i32
        %dma_start3A_28 = tpu.memref_slice %arg4[%add3A_16, %dma_start3A] : memref<4000x80xi32, #tpu.memory_space<hbm>> -> memref<25x80xi32, #tpu.memory_space<hbm>>
        %dma_start3A_29 = arith.constant 0 : i32
        %dma_start3A_30 = tpu.memref_slice %arg4[%add3A_16, %dma_start3A_29] : memref<4000x80xi32, #tpu.memory_space<hbm>> -> memref<25x80xi32, #tpu.memory_space<hbm>>
        tpu.enqueue_dma source(%dma_start3A_30 : memref<25x80xi32, #tpu.memory_space<hbm>>) target(%arg8 : memref<25x80xi32, #tpu.memory_space<vmem>>) target_semaphore(%run_scoped3A : memref<!tpu.dma_semaphore, #tpu.memory_space<semaphore_mem>>)
        %dma_wait3A = arith.constant 0 : i32
        %dma_wait3A_31 = tpu.memref_slice %arg4[%add3A_16, %dma_wait3A] : memref<4000x80xi32, #tpu.memory_space<hbm>> -> memref<25x80xi32, #tpu.memory_space<hbm>>
        %dma_wait3A_32 = arith.constant 0 : i32
        %dma_wait3A_33 = tpu.memref_slice %arg4[%add3A_16, %dma_wait3A_32] : memref<4000x80xi32, #tpu.memory_space<hbm>> -> memref<25x80xi32, #tpu.memory_space<hbm>>
        tpu.wait_dma2 semaphore(%run_scoped3A : memref<!tpu.dma_semaphore, #tpu.memory_space<semaphore_mem>>) src(%dma_wait3A_33 : memref<25x80xi32, #tpu.memory_space<hbm>>) dst(%arg8 : memref<25x80xi32, #tpu.memory_space<vmem>>)
        tpu.yield
      }) : () -> ()
      %scan3A_17 = arith.constant 0 : i32
      %scan3A_18 = arith.constant 0 : i32
      %scan3A_19 = arith.constant 25 : i32
      %scan3A_20 = arith.addi %scan3A_18, %scan3A_19 : i32
      %scan3A_21 = arith.constant 1 : i32
      scf.for %scan3A_28 = %scan3A_18 to %scan3A_20 step %scan3A_21  : i32 {
        %scan3A_29 = arith.constant 0 : i32
        %scan3A_30 = arith.constant 5 : i32
        %scan3A_31 = arith.addi %scan3A_29, %scan3A_30 : i32
        %scan3A_32 = arith.constant 1 : i32
        scf.for %scan3A_34 = %scan3A_29 to %scan3A_31 step %scan3A_32  : i32 {
          %mul3A_35 = arith.constant 16 : i32
          %mul3A_36 = arith.muli %scan3A_34, %mul3A_35 : i32
          %get3A = arith.index_cast %scan3A_28 : i32 to index
          %get3A_37 = arith.index_cast %mul3A_36 : i32 to index
          %get3A_38 = tpu.vector_load %arg7[%get3A, %get3A_37] {strides = array<i32>} : memref<25x80xi32, #tpu.memory_space<vmem>>, vector<1x16xi32>,
          %get3A_39 = vector.shape_cast %get3A_38 : vector<1x16xi32> to vector<16xi32>
          %add3A_40 = vector.broadcast %mul3A_2 : i32 to vector<16xi32>
          %add3A_41 = arith.addi %get3A_39, %add3A_40 : vector<16xi32>
          %swap3A = arith.index_cast %scan3A_28 : i32 to index
          %swap3A_42 = arith.index_cast %mul3A_36 : i32 to index
          %swap3A_43 = tpu.vector_load %arg7[%swap3A, %swap3A_42] {strides = array<i32>} : memref<25x80xi32, #tpu.memory_space<vmem>>, vector<1x16xi32>,
          %swap3A_44 = vector.shape_cast %swap3A_43 : vector<1x16xi32> to vector<16xi32>
          %swap3A_45 = vector.shape_cast %add3A_41 : vector<16xi32> to vector<1x16xi32>
          tpu.vector_store %arg7[%swap3A, %swap3A_42], %swap3A_45 {strides = array<i32>} : memref<25x80xi32, #tpu.memory_space<vmem>>, vector<1x16xi32>,
        }
        %scan3A_33 = arith.constant 5 : i32
      }
      %scan3A_22 = arith.constant 25 : i32
      %scan3A_23 = arith.constant 0 : i32
      %scan3A_24 = arith.constant 25 : i32
      %scan3A_25 = arith.addi %scan3A_23, %scan3A_24 : i32
      %scan3A_26 = arith.constant 1 : i32
      scf.for %scan3A_28 = %scan3A_23 to %scan3A_25 step %scan3A_26  : i32 {
        "tpu.region"() ({
          %run_scoped3A = tpu.sem_alloc : memref<!tpu.dma_semaphore, #tpu.memory_space<semaphore_mem>>
          %dma_start3A = arith.constant 0 : i32
          %dma_start3A_29 = tpu.memref_slice %arg7[%scan3A_28, %dma_start3A] : memref<25x80xi32, #tpu.memory_space<vmem>> -> memref<1x80xi32, #tpu.memory_space<vmem>>
          %dma_start3A_30 = tpu.memref_squeeze %dma_start3A_29 : memref<1x80xi32, #tpu.memory_space<vmem>> -> memref<80xi32, #tpu.memory_space<vmem>>
          %dma_start3A_31 = arith.constant 0 : i32
          %dma_start3A_32 = arith.constant 0 : i32
          %dma_start3A_33 = tpu.memref_slice %arg2[%dma_start3A_31, %dma_start3A_32] : memref<20000x128xf32, #tpu.memory_space<hbm>> -> memref<20000x128xf32, #tpu.memory_space<hbm>>
          tpu.enqueue_indirect_dma source(%dma_start3A_33 : memref<20000x128xf32, #tpu.memory_space<hbm>>) target(%arg9 : memref<80x128xf32, #tpu.memory_space<vmem>>) offsets(%dma_start3A_30 : memref<80xi32, #tpu.memory_space<vmem>>) semaphore(%run_scoped3A : memref<!tpu.dma_semaphore, #tpu.memory_space<semaphore_mem>>)
          %dma_wait3A = arith.constant 0 : i32
          %dma_wait3A_34 = tpu.memref_slice %arg7[%scan3A_28, %dma_wait3A] : memref<25x80xi32, #tpu.memory_space<vmem>> -> memref<1x80xi32, #tpu.memory_space<vmem>>
          %dma_wait3A_35 = tpu.memref_squeeze %dma_wait3A_34 : memref<1x80xi32, #tpu.memory_space<vmem>> -> memref<80xi32, #tpu.memory_space<vmem>>
          %dma_wait3A_36 = arith.constant 0 : i32
          %dma_wait3A_37 = arith.constant 0 : i32
          %dma_wait3A_38 = tpu.memref_slice %arg2[%dma_wait3A_36, %dma_wait3A_37] : memref<20000x128xf32, #tpu.memory_space<hbm>> -> memref<20000x128xf32, #tpu.memory_space<hbm>>
          tpu.wait_indirect_dma semaphore(%run_scoped3A : memref<!tpu.dma_semaphore, #tpu.memory_space<semaphore_mem>>) src(%dma_wait3A_38 : memref<20000x128xf32, #tpu.memory_space<hbm>>) dst(%arg9 : memref<80x128xf32, #tpu.memory_space<vmem>>)
          tpu.yield
        }) : () -> ()
        "tpu.region"() ({
          %run_scoped3A = tpu.sem_alloc : memref<!tpu.dma_semaphore, #tpu.memory_space<semaphore_mem>>
          %dma_start3A = arith.constant 0 : i32
          %dma_start3A_29 = tpu.memref_slice %arg8[%scan3A_28, %dma_start3A] : memref<25x80xi32, #tpu.memory_space<vmem>> -> memref<1x80xi32, #tpu.memory_space<vmem>>
          %dma_start3A_30 = tpu.memref_squeeze %dma_start3A_29 : memref<1x80xi32, #tpu.memory_space<vmem>> -> memref<80xi32, #tpu.memory_space<vmem>>
          %dma_start3A_31 = arith.constant 0 : i32
          %dma_start3A_32 = arith.constant 0 : i32
          %dma_start3A_33 = tpu.memref_slice %arg10[%dma_start3A_31, %dma_start3A_32] : memref<10112x128xf32, #tpu.memory_space<vmem_shared>> -> memref<10112x128xf32, #tpu.memory_space<vmem_shared>>
          tpu.enqueue_indirect_dma source(%arg9 : memref<80x128xf32, #tpu.memory_space<vmem>>) target(%dma_start3A_33 : memref<10112x128xf32, #tpu.memory_space<vmem_shared>>) offsets(%dma_start3A_30 : memref<80xi32, #tpu.memory_space<vmem>>) semaphore(%run_scoped3A : memref<!tpu.dma_semaphore, #tpu.memory_space<semaphore_mem>>) {add = true}
          %dma_wait3A = arith.constant 0 : i32
          %dma_wait3A_34 = tpu.memref_slice %arg8[%scan3A_28, %dma_wait3A] : memref<25x80xi32, #tpu.memory_space<vmem>> -> memref<1x80xi32, #tpu.memory_space<vmem>>
          %dma_wait3A_35 = tpu.memref_squeeze %dma_wait3A_34 : memref<1x80xi32, #tpu.memory_space<vmem>> -> memref<80xi32, #tpu.memory_space<vmem>>
          %dma_wait3A_36 = arith.constant 0 : i32
          %dma_wait3A_37 = arith.constant 0 : i32
          %dma_wait3A_38 = tpu.memref_slice %arg10[%dma_wait3A_36, %dma_wait3A_37] : memref<10112x128xf32, #tpu.memory_space<vmem_shared>> -> memref<10112x128xf32, #tpu.memory_space<vmem_shared>>
          tpu.wait_indirect_dma semaphore(%run_scoped3A : memref<!tpu.dma_semaphore, #tpu.memory_space<semaphore_mem>>) src(%arg9 : memref<80x128xf32, #tpu.memory_space<vmem>>) dst(%dma_wait3A_38 : memref<10112x128xf32, #tpu.memory_space<vmem_shared>>)
          tpu.yield
        }) : () -> ()
      }
      %scan3A_27 = arith.constant 25 : i32
    }
    %scan3A_9 = arith.constant 10 : i32
    %barrier3A_10 = arith.constant 0 : index
    tpu.barrier barrier_id(%barrier3A_10)
    "tpu.region"() ({
      %run_scoped3A = tpu.sem_alloc : memref<!tpu.dma_semaphore, #tpu.memory_space<semaphore_mem>>
      %dma_start3A = arith.constant 0 : i32
      %dma_start3A_11 = arith.constant 0 : i32
      %dma_start3A_12 = tpu.memref_slice %arg6[%arg0, %dma_start3A, %dma_start3A_11] : memref<2x10112x128xf32, #tpu.memory_space<hbm>> -> memref<1x10112x128xf32, #tpu.memory_space<hbm>>
      %dma_start3A_13 = tpu.memref_squeeze %dma_start3A_12 : memref<1x10112x128xf32, #tpu.memory_space<hbm>> -> memref<10112x128xf32, #tpu.memory_space<hbm>>
      %dma_start3A_14 = arith.constant 0 : i32
      %dma_start3A_15 = tpu.memref_slice %dma_start3A_13[%mul3A_0, %dma_start3A_14] : memref<10112x128xf32, #tpu.memory_space<hbm>> -> memref<632x128xf32, #tpu.memory_space<hbm>>
      %dma_start3A_16 = arith.constant 0 : i32
      %dma_start3A_17 = tpu.memref_slice %arg10[%mul3A_0, %dma_start3A_16] : memref<10112x128xf32, #tpu.memory_space<vmem_shared>> -> memref<632x128xf32, #tpu.memory_space<vmem_shared>>
      tpu.enqueue_dma source(%dma_start3A_17 : memref<632x128xf32, #tpu.memory_space<vmem_shared>>) target(%dma_start3A_15 : memref<632x128xf32, #tpu.memory_space<hbm>>) target_semaphore(%run_scoped3A : memref<!tpu.dma_semaphore, #tpu.memory_space<semaphore_mem>>)
      %dma_wait3A = arith.constant 0 : i32
      %dma_wait3A_18 = arith.constant 0 : i32
      %dma_wait3A_19 = tpu.memref_slice %arg6[%arg0, %dma_wait3A, %dma_wait3A_18] : memref<2x10112x128xf32, #tpu.memory_space<hbm>> -> memref<1x10112x128xf32, #tpu.memory_space<hbm>>
      %dma_wait3A_20 = tpu.memref_squeeze %dma_wait3A_19 : memref<1x10112x128xf32, #tpu.memory_space<hbm>> -> memref<10112x128xf32, #tpu.memory_space<hbm>>
      %dma_wait3A_21 = arith.constant 0 : i32
      %dma_wait3A_22 = tpu.memref_slice %dma_wait3A_20[%mul3A_0, %dma_wait3A_21] : memref<10112x128xf32, #tpu.memory_space<hbm>> -> memref<632x128xf32, #tpu.memory_space<hbm>>
      %dma_wait3A_23 = arith.constant 0 : i32
      %dma_wait3A_24 = tpu.memref_slice %arg10[%mul3A_0, %dma_wait3A_23] : memref<10112x128xf32, #tpu.memory_space<vmem_shared>> -> memref<632x128xf32, #tpu.memory_space<vmem_shared>>
      tpu.wait_dma2 semaphore(%run_scoped3A : memref<!tpu.dma_semaphore, #tpu.memory_space<semaphore_mem>>) src(%dma_wait3A_24 : memref<632x128xf32, #tpu.memory_space<vmem_shared>>) dst(%dma_wait3A_22 : memref<632x128xf32, #tpu.memory_space<hbm>>)
      tpu.yield
    }) : () -> ()
    return
  }
}

#map = affine_map<(d0, d1) -> (0, 0)>
#map1 = affine_map<(d0, d1) -> (0, 0, 0)>
module attributes {stable_mosaic.version = 14 : i64} {
  func.func @body(%arg0: i32, %arg1: i32, %arg2: memref<20000x128xf32, #tpu.memory_space<hbm>>, %arg3: memref<4000x80xi32, #tpu.memory_space<hbm>>, %arg4: memref<4000x80xi32, #tpu.memory_space<hbm>>, %arg5: memref<10112x128xf32, #tpu.memory_space<hbm>>, %arg6: memref<2x10112x128xf32, #tpu.memory_space<hbm>>, %arg7: memref<25x80xi32, #tpu.memory_space<vmem>>, %arg8: memref<25x80xi32, #tpu.memory_space<vmem>>, %arg9: memref<80x128xf32, #tpu.memory_space<vmem>>, %arg10: memref<10112x128xf32, #tpu.memory_space<vmem_shared>>) attributes {dimension_semantics = [#tpu.dimension_semantics<core_parallel>, #tpu.dimension_semantics<subcore_parallel>], iteration_bounds = array<i64: 2, 16>, scalar_prefetch = 0 : i64, scratch_operands = 4 : i64, tpu.core_type = #tpu.core_type<sc_vector_subcore>, window_params = [{transform_indices = #map}, {transform_indices = #map}, {transform_indices = #map}, {transform_indices = #map}, {transform_indices = #map1}]} {
    %mul3A = arith.constant 632 : i32
    %mul3A_0 = arith.muli %arg1, %mul3A : i32
    "tpu.region"() ({
      %run_scoped3A = tpu.sem_alloc : memref<!tpu.dma_semaphore, #tpu.memory_space<semaphore_mem>>
      %dma_start3A = arith.constant 0 : i32
      %dma_start3A_11 = tpu.memref_slice %arg10[%mul3A_0, %dma_start3A] : memref<10112x128xf32, #tpu.memory_space<vmem_shared>> -> memref<632x128xf32, #tpu.memory_space<vmem_shared>>
      %dma_start3A_12 = arith.constant 0 : i32
      %dma_start3A_13 = tpu.memref_slice %arg5[%mul3A_0, %dma_start3A_12] : memref<10112x128xf32, #tpu.memory_space<hbm>> -> memref<632x128xf32, #tpu.memory_space<hbm>>
      tpu.enqueue_dma source(%dma_start3A_13 : memref<632x128xf32, #tpu.memory_space<hbm>>) target(%dma_start3A_11 : memref<632x128xf32, #tpu.memory_space<vmem_shared>>) target_semaphore(%run_scoped3A : memref<!tpu.dma_semaphore, #tpu.memory_space<semaphore_mem>>)
      %dma_wait3A = arith.constant 0 : i32
      %dma_wait3A_14 = tpu.memref_slice %arg10[%mul3A_0, %dma_wait3A] : memref<10112x128xf32, #tpu.memory_space<vmem_shared>> -> memref<632x128xf32, #tpu.memory_space<vmem_shared>>
      %dma_wait3A_15 = arith.constant 0 : i32
      %dma_wait3A_16 = tpu.memref_slice %arg5[%mul3A_0, %dma_wait3A_15] : memref<10112x128xf32, #tpu.memory_space<hbm>> -> memref<632x128xf32, #tpu.memory_space<hbm>>
      tpu.wait_dma2 semaphore(%run_scoped3A : memref<!tpu.dma_semaphore, #tpu.memory_space<semaphore_mem>>) src(%dma_wait3A_16 : memref<632x128xf32, #tpu.memory_space<hbm>>) dst(%dma_wait3A_14 : memref<632x128xf32, #tpu.memory_space<vmem_shared>>)
      tpu.yield
    }) : () -> ()
    %barrier3A = arith.constant 0 : index
    tpu.barrier barrier_id(%barrier3A)
    %mul3A_1 = arith.constant 10000 : i32
    %mul3A_2 = arith.muli %arg0, %mul3A_1 : i32
    %mul3A_3 = arith.constant 250 : i32
    %mul3A_4 = arith.muli %arg1, %mul3A_3 : i32
    %scan3A = arith.constant 0 : i32
    %scan3A_5 = arith.constant 0 : i32
    %scan3A_6 = arith.constant 10 : i32
    %scan3A_7 = arith.addi %scan3A_5, %scan3A_6 : i32
    %scan3A_8 = arith.constant 1 : i32
    scf.for %scan3A_11 = %scan3A_5 to %scan3A_7 step %scan3A_8  : i32 {
      %mul3A_12 = arith.constant 25 : i32
      %mul3A_13 = arith.muli %scan3A_11, %mul3A_12 : i32
      %add3A = arith.addi %mul3A_4, %mul3A_13 : i32
      "tpu.region"() ({
        %run_scoped3A = tpu.sem_alloc : memref<!tpu.dma_semaphore, #tpu.memory_space<semaphore_mem>>
        %dma_start3A = arith.constant 0 : i32
        %dma_start3A_28 = tpu.memref_slice %arg3[%add3A, %dma_start3A] : memref<4000x80xi32, #tpu.memory_space<hbm>> -> memref<25x80xi32, #tpu.memory_space<hbm>>
        %dma_start3A_29 = arith.constant 0 : i32
        %dma_start3A_30 = tpu.memref_slice %arg3[%add3A, %dma_start3A_29] : memref<4000x80xi32, #tpu.memory_space<hbm>> -> memref<25x80xi32, #tpu.memory_space<hbm>>
        tpu.enqueue_dma source(%dma_start3A_30 : memref<25x80xi32, #tpu.memory_space<hbm>>) target(%arg7 : memref<25x80xi32, #tpu.memory_space<vmem>>) target_semaphore(%run_scoped3A : memref<!tpu.dma_semaphore, #tpu.memory_space<semaphore_mem>>)
        %dma_wait3A = arith.constant 0 : i32
        %dma_wait3A_31 = tpu.memref_slice %arg3[%add3A, %dma_wait3A] : memref<4000x80xi32, #tpu.memory_space<hbm>> -> memref<25x80xi32, #tpu.memory_space<hbm>>
        %dma_wait3A_32 = arith.constant 0 : i32
        %dma_wait3A_33 = tpu.memref_slice %arg3[%add3A, %dma_wait3A_32] : memref<4000x80xi32, #tpu.memory_space<hbm>> -> memref<25x80xi32, #tpu.memory_space<hbm>>
        tpu.wait_dma2 semaphore(%run_scoped3A : memref<!tpu.dma_semaphore, #tpu.memory_space<semaphore_mem>>) src(%dma_wait3A_33 : memref<25x80xi32, #tpu.memory_space<hbm>>) dst(%arg7 : memref<25x80xi32, #tpu.memory_space<vmem>>)
        tpu.yield
      }) : () -> ()
      %mul3A_14 = arith.constant 25 : i32
      %mul3A_15 = arith.muli %scan3A_11, %mul3A_14 : i32
      %add3A_16 = arith.addi %mul3A_4, %mul3A_15 : i32
      "tpu.region"() ({
        %run_scoped3A = tpu.sem_alloc : memref<!tpu.dma_semaphore, #tpu.memory_space<semaphore_mem>>
        %dma_start3A = arith.constant 0 : i32
        %dma_start3A_28 = tpu.memref_slice %arg4[%add3A_16, %dma_start3A] : memref<4000x80xi32, #tpu.memory_space<hbm>> -> memref<25x80xi32, #tpu.memory_space<hbm>>
        %dma_start3A_29 = arith.constant 0 : i32
        %dma_start3A_30 = tpu.memref_slice %arg4[%add3A_16, %dma_start3A_29] : memref<4000x80xi32, #tpu.memory_space<hbm>> -> memref<25x80xi32, #tpu.memory_space<hbm>>
        tpu.enqueue_dma source(%dma_start3A_30 : memref<25x80xi32, #tpu.memory_space<hbm>>) target(%arg8 : memref<25x80xi32, #tpu.memory_space<vmem>>) target_semaphore(%run_scoped3A : memref<!tpu.dma_semaphore, #tpu.memory_space<semaphore_mem>>)
        %dma_wait3A = arith.constant 0 : i32
        %dma_wait3A_31 = tpu.memref_slice %arg4[%add3A_16, %dma_wait3A] : memref<4000x80xi32, #tpu.memory_space<hbm>> -> memref<25x80xi32, #tpu.memory_space<hbm>>
        %dma_wait3A_32 = arith.constant 0 : i32
        %dma_wait3A_33 = tpu.memref_slice %arg4[%add3A_16, %dma_wait3A_32] : memref<4000x80xi32, #tpu.memory_space<hbm>> -> memref<25x80xi32, #tpu.memory_space<hbm>>
        tpu.wait_dma2 semaphore(%run_scoped3A : memref<!tpu.dma_semaphore, #tpu.memory_space<semaphore_mem>>) src(%dma_wait3A_33 : memref<25x80xi32, #tpu.memory_space<hbm>>) dst(%arg8 : memref<25x80xi32, #tpu.memory_space<vmem>>)
        tpu.yield
      }) : () -> ()
      %scan3A_17 = arith.constant 0 : i32
      %scan3A_18 = arith.constant 0 : i32
      %scan3A_19 = arith.constant 25 : i32
      %scan3A_20 = arith.addi %scan3A_18, %scan3A_19 : i32
      %scan3A_21 = arith.constant 1 : i32
      scf.for %scan3A_28 = %scan3A_18 to %scan3A_20 step %scan3A_21  : i32 {
        %scan3A_29 = arith.constant 0 : i32
        %scan3A_30 = arith.constant 5 : i32
        %scan3A_31 = arith.addi %scan3A_29, %scan3A_30 : i32
        %scan3A_32 = arith.constant 1 : i32
        scf.for %scan3A_34 = %scan3A_29 to %scan3A_31 step %scan3A_32  : i32 {
          %mul3A_35 = arith.constant 16 : i32
          %mul3A_36 = arith.muli %scan3A_34, %mul3A_35 : i32
          %get3A = arith.index_cast %scan3A_28 : i32 to index
          %get3A_37 = arith.index_cast %mul3A_36 : i32 to index
          %get3A_38 = tpu.vector_load %arg7[%get3A, %get3A_37] {strides = array<i32>} : memref<25x80xi32, #tpu.memory_space<vmem>>, vector<1x16xi32>,
          %get3A_39 = vector.shape_cast %get3A_38 : vector<1x16xi32> to vector<16xi32>
          %add3A_40 = vector.broadcast %mul3A_2 : i32 to vector<16xi32>
          %add3A_41 = arith.addi %get3A_39, %add3A_40 : vector<16xi32>
          %swap3A = arith.index_cast %scan3A_28 : i32 to index
          %swap3A_42 = arith.index_cast %mul3A_36 : i32 to index
          %swap3A_43 = tpu.vector_load %arg7[%swap3A, %swap3A_42] {strides = array<i32>} : memref<25x80xi32, #tpu.memory_space<vmem>>, vector<1x16xi32>,
          %swap3A_44 = vector.shape_cast %swap3A_43 : vector<1x16xi32> to vector<16xi32>
          %swap3A_45 = vector.shape_cast %add3A_41 : vector<16xi32> to vector<1x16xi32>
          tpu.vector_store %arg7[%swap3A, %swap3A_42], %swap3A_45 {strides = array<i32>} : memref<25x80xi32, #tpu.memory_space<vmem>>, vector<1x16xi32>,
        }
        %scan3A_33 = arith.constant 5 : i32
      }
      %scan3A_22 = arith.constant 25 : i32
      %scan3A_23 = arith.constant 0 : i32
      %scan3A_24 = arith.constant 25 : i32
      %scan3A_25 = arith.addi %scan3A_23, %scan3A_24 : i32
      %scan3A_26 = arith.constant 1 : i32
      scf.for %scan3A_28 = %scan3A_23 to %scan3A_25 step %scan3A_26  : i32 {
        "tpu.region"() ({
          %run_scoped3A = tpu.sem_alloc : memref<!tpu.dma_semaphore, #tpu.memory_space<semaphore_mem>>
          %dma_start3A = arith.constant 0 : i32
          %dma_start3A_29 = tpu.memref_slice %arg7[%scan3A_28, %dma_start3A] : memref<25x80xi32, #tpu.memory_space<vmem>> -> memref<1x80xi32, #tpu.memory_space<vmem>>
          %dma_start3A_30 = tpu.memref_squeeze %dma_start3A_29 : memref<1x80xi32, #tpu.memory_space<vmem>> -> memref<80xi32, #tpu.memory_space<vmem>>
          %dma_start3A_31 = arith.constant 0 : i32
          %dma_start3A_32 = arith.constant 0 : i32
          %dma_start3A_33 = tpu.memref_slice %arg2[%dma_start3A_31, %dma_start3A_32] : memref<20000x128xf32, #tpu.memory_space<hbm>> -> memref<20000x128xf32, #tpu.memory_space<hbm>>
          tpu.enqueue_indirect_dma source(%dma_start3A_33 : memref<20000x128xf32, #tpu.memory_space<hbm>>) target(%arg9 : memref<80x128xf32, #tpu.memory_space<vmem>>) offsets(%dma_start3A_30 : memref<80xi32, #tpu.memory_space<vmem>>) semaphore(%run_scoped3A : memref<!tpu.dma_semaphore, #tpu.memory_space<semaphore_mem>>)
          %dma_wait3A = arith.constant 0 : i32
          %dma_wait3A_34 = tpu.memref_slice %arg7[%scan3A_28, %dma_wait3A] : memref<25x80xi32, #tpu.memory_space<vmem>> -> memref<1x80xi32, #tpu.memory_space<vmem>>
          %dma_wait3A_35 = tpu.memref_squeeze %dma_wait3A_34 : memref<1x80xi32, #tpu.memory_space<vmem>> -> memref<80xi32, #tpu.memory_space<vmem>>
          %dma_wait3A_36 = arith.constant 0 : i32
          %dma_wait3A_37 = arith.constant 0 : i32
          %dma_wait3A_38 = tpu.memref_slice %arg2[%dma_wait3A_36, %dma_wait3A_37] : memref<20000x128xf32, #tpu.memory_space<hbm>> -> memref<20000x128xf32, #tpu.memory_space<hbm>>
          tpu.wait_indirect_dma semaphore(%run_scoped3A : memref<!tpu.dma_semaphore, #tpu.memory_space<semaphore_mem>>) src(%dma_wait3A_38 : memref<20000x128xf32, #tpu.memory_space<hbm>>) dst(%arg9 : memref<80x128xf32, #tpu.memory_space<vmem>>)
          tpu.yield
        }) : () -> ()
        "tpu.region"() ({
          %run_scoped3A = tpu.sem_alloc : memref<!tpu.dma_semaphore, #tpu.memory_space<semaphore_mem>>
          %dma_start3A = arith.constant 0 : i32
          %dma_start3A_29 = tpu.memref_slice %arg8[%scan3A_28, %dma_start3A] : memref<25x80xi32, #tpu.memory_space<vmem>> -> memref<1x80xi32, #tpu.memory_space<vmem>>
          %dma_start3A_30 = tpu.memref_squeeze %dma_start3A_29 : memref<1x80xi32, #tpu.memory_space<vmem>> -> memref<80xi32, #tpu.memory_space<vmem>>
          %dma_start3A_31 = arith.constant 0 : i32
          %dma_start3A_32 = arith.constant 0 : i32
          %dma_start3A_33 = tpu.memref_slice %arg10[%dma_start3A_31, %dma_start3A_32] : memref<10112x128xf32, #tpu.memory_space<vmem_shared>> -> memref<10112x128xf32, #tpu.memory_space<vmem_shared>>
          tpu.enqueue_indirect_dma source(%arg9 : memref<80x128xf32, #tpu.memory_space<vmem>>) target(%dma_start3A_33 : memref<10112x128xf32, #tpu.memory_space<vmem_shared>>) offsets(%dma_start3A_30 : memref<80xi32, #tpu.memory_space<vmem>>) semaphore(%run_scoped3A : memref<!tpu.dma_semaphore, #tpu.memory_space<semaphore_mem>>) {add = true}
          %dma_wait3A = arith.constant 0 : i32
          %dma_wait3A_34 = tpu.memref_slice %arg8[%scan3A_28, %dma_wait3A] : memref<25x80xi32, #tpu.memory_space<vmem>> -> memref<1x80xi32, #tpu.memory_space<vmem>>
          %dma_wait3A_35 = tpu.memref_squeeze %dma_wait3A_34 : memref<1x80xi32, #tpu.memory_space<vmem>> -> memref<80xi32, #tpu.memory_space<vmem>>
          %dma_wait3A_36 = arith.constant 0 : i32
          %dma_wait3A_37 = arith.constant 0 : i32
          %dma_wait3A_38 = tpu.memref_slice %arg10[%dma_wait3A_36, %dma_wait3A_37] : memref<10112x128xf32, #tpu.memory_space<vmem_shared>> -> memref<10112x128xf32, #tpu.memory_space<vmem_shared>>
          tpu.wait_indirect_dma semaphore(%run_scoped3A : memref<!tpu.dma_semaphore, #tpu.memory_space<semaphore_mem>>) src(%arg9 : memref<80x128xf32, #tpu.memory_space<vmem>>) dst(%dma_wait3A_38 : memref<10112x128xf32, #tpu.memory_space<vmem_shared>>)
          tpu.yield
        }) : () -> ()
      }
      %scan3A_27 = arith.constant 25 : i32
    }
    %scan3A_9 = arith.constant 10 : i32
    %barrier3A_10 = arith.constant 0 : index
    tpu.barrier barrier_id(%barrier3A_10)
    "tpu.region"() ({
      %run_scoped3A = tpu.sem_alloc : memref<!tpu.dma_semaphore, #tpu.memory_space<semaphore_mem>>
      %dma_start3A = arith.constant 0 : i32
      %dma_start3A_11 = arith.constant 0 : i32
      %dma_start3A_12 = tpu.memref_slice %arg6[%arg0, %dma_start3A, %dma_start3A_11] : memref<2x10112x128xf32, #tpu.memory_space<hbm>> -> memref<1x10112x128xf32, #tpu.memory_space<hbm>>
      %dma_start3A_13 = tpu.memref_squeeze %dma_start3A_12 : memref<1x10112x128xf32, #tpu.memory_space<hbm>> -> memref<10112x128xf32, #tpu.memory_space<hbm>>
      %dma_start3A_14 = arith.constant 0 : i32
      %dma_start3A_15 = tpu.memref_slice %dma_start3A_13[%mul3A_0, %dma_start3A_14] : memref<10112x128xf32, #tpu.memory_space<hbm>> -> memref<632x128xf32, #tpu.memory_space<hbm>>
      %dma_start3A_16 = arith.constant 0 : i32
      %dma_start3A_17 = tpu.memref_slice %arg10[%mul3A_0, %dma_start3A_16] : memref<10112x128xf32, #tpu.memory_space<vmem_shared>> -> memref<632x128xf32, #tpu.memory_space<vmem_shared>>
      tpu.enqueue_dma source(%dma_start3A_17 : memref<632x128xf32, #tpu.memory_space<vmem_shared>>) target(%dma_start3A_15 : memref<632x128xf32, #tpu.memory_space<hbm>>) target_semaphore(%run_scoped3A : memref<!tpu.dma_semaphore, #tpu.memory_space<semaphore_mem>>)
      %dma_wait3A = arith.constant 0 : i32
      %dma_wait3A_18 = arith.constant 0 : i32
      %dma_wait3A_19 = tpu.memref_slice %arg6[%arg0, %dma_wait3A, %dma_wait3A_18] : memref<2x10112x128xf32, #tpu.memory_space<hbm>> -> memref<1x10112x128xf32, #tpu.memory_space<hbm>>
      %dma_wait3A_20 = tpu.memref_squeeze %dma_wait3A_19 : memref<1x10112x128xf32, #tpu.memory_space<hbm>> -> memref<10112x128xf32, #tpu.memory_space<hbm>>
      %dma_wait3A_21 = arith.constant 0 : i32
      %dma_wait3A_22 = tpu.memref_slice %dma_wait3A_20[%mul3A_0, %dma_wait3A_21] : memref<10112x128xf32, #tpu.memory_space<hbm>> -> memref<632x128xf32, #tpu.memory_space<hbm>>
      %dma_wait3A_23 = arith.constant 0 : i32
      %dma_wait3A_24 = tpu.memref_slice %arg10[%mul3A_0, %dma_wait3A_23] : memref<10112x128xf32, #tpu.memory_space<vmem_shared>> -> memref<632x128xf32, #tpu.memory_space<vmem_shared>>
      tpu.wait_dma2 semaphore(%run_scoped3A : memref<!tpu.dma_semaphore, #tpu.memory_space<semaphore_mem>>) src(%dma_wait3A_24 : memref<632x128xf32, #tpu.memory_space<vmem_shared>>) dst(%dma_wait3A_22 : memref<632x128xf32, #tpu.memory_space<hbm>>)
      tpu.yield
    }) : () -> ()
    return
  }
}

module attributes {stable_mosaic.version = 14 : i64} {
  func.func @body(%arg0: i32, %arg1: memref<1000x128xf32, #tpu.memory_space<vmem>>, %arg2: memref<128x256xf32, #tpu.memory_space<vmem>>, %arg3: memref<2x1000x1xf32, #tpu.memory_space<vmem>>, %arg4: memref<2x1000x128xf32, #tpu.memory_space<vmem>>) attributes {dimension_semantics = [#tpu.dimension_semantics<arbitrary>], iteration_bounds = array<i64: 10>, scalar_prefetch = 0 : i64, scratch_operands = 0 : i64, tpu.core_type = #tpu.core_type<tc>, window_params = [{transform_indices = @transform_0, window_bounds = array<i64: 1000, 128>}, {pipeline_mode = #tpu.pipeline_mode<synchronous>, transform_indices = @transform_1, window_bounds = array<i64: 128, 256>}, {transform_indices = @transform_2, window_bounds = array<i64: 2, 1000, 1>}, {transform_indices = @transform_3, window_bounds = array<i64: 2, 1000, 128>}]} {
    %get3A = arith.constant 0 : index
    %get3A_0 = arith.constant 0 : index
    %get3A_1 = arith.constant 0 : index
    %get3A_2 = vector.load %arg3[%get3A, %get3A_0, %get3A_1] : memref<2x1000x1xf32, #tpu.memory_space<vmem>>, vector<1x1000x1xf32>
    %get3A_3 = vector.shape_cast %get3A_2 : vector<1x1000x1xf32> to vector<1000x1xf32>
    %get3A_4 = arith.constant 1 : index
    %get3A_5 = arith.constant 0 : index
    %get3A_6 = arith.constant 0 : index
    %get3A_7 = vector.load %arg3[%get3A_4, %get3A_5, %get3A_6] : memref<2x1000x1xf32, #tpu.memory_space<vmem>>, vector<1x1000x1xf32>
    %get3A_8 = vector.shape_cast %get3A_7 : vector<1x1000x1xf32> to vector<1000x1xf32>
    %add3A = arith.addf %get3A_3, %get3A_8 : vector<1000x1xf32>
    %add3A_9 = arith.constant 1.000000e+00 : f32
    %add3A_10 = vector.broadcast %add3A_9 : f32 to vector<1000x1xf32>
    %add3A_11 = arith.addf %add3A, %add3A_10 : vector<1000x1xf32>
    %rsqrt3A = math.rsqrt %add3A_11 : vector<1000x1xf32>
    %get3A_12 = arith.constant 0 : index
    %get3A_13 = arith.constant 0 : index
    %get3A_14 = vector.load %arg1[%get3A_12, %get3A_13] : memref<1000x128xf32, #tpu.memory_space<vmem>>, vector<1000x128xf32>
    %get3A_15 = arith.constant 0 : index
    %get3A_16 = arith.constant 0 : index
    %get3A_17 = vector.load %arg2[%get3A_15, %get3A_16] : memref<128x256xf32, #tpu.memory_space<vmem>>, vector<128x256xf32>
    %dot_general3A = arith.constant dense<0.000000e+00> : vector<1000x256xf32>
    %dot_general3A_18 = tpu.matmul %get3A_14, %get3A_17, %dot_general3A {dimension_numbers = #tpu.dot_dimension_numbers<[1], [0], [0], [1], [0, 0, 1, 1], [], []>, transpose_lhs_hint = false} : vector<1000x128xf32>, vector<128x256xf32>, vector<1000x256xf32> -> vector<1000x256xf32>
    %mul3A = vector.broadcast %rsqrt3A : vector<1000x1xf32> to vector<1000x256xf32>
    %mul3A_19 = arith.mulf %dot_general3A_18, %mul3A : vector<1000x256xf32>
    %slice3A = vector.extract_strided_slice %mul3A_19 {offsets = [0, 0], sizes = [1000, 128], strides = [1, 1]} : vector<1000x256xf32> to vector<1000x128xf32>
    %swap3A = arith.constant 0 : index
    %swap3A_20 = arith.constant 0 : index
    %swap3A_21 = arith.constant 0 : index
    %swap3A_22 = vector.load %arg4[%swap3A, %swap3A_20, %swap3A_21] : memref<2x1000x128xf32, #tpu.memory_space<vmem>>, vector<1x1000x128xf32>
    %swap3A_23 = vector.shape_cast %swap3A_22 : vector<1x1000x128xf32> to vector<1000x128xf32>
    %swap3A_24 = vector.shape_cast %slice3A : vector<1000x128xf32> to vector<1x1000x128xf32>
    tpu.vector_store %arg4[%swap3A, %swap3A_20, %swap3A_21], %swap3A_24 {strides = array<i32>} : memref<2x1000x128xf32, #tpu.memory_space<vmem>>, vector<1x1000x128xf32>,
    %slice3A_25 = vector.extract_strided_slice %mul3A_19 {offsets = [0, 128], sizes = [1000, 128], strides = [1, 1]} : vector<1000x256xf32> to vector<1000x128xf32>
    %swap3A_26 = arith.constant 1 : index
    %swap3A_27 = arith.constant 0 : index
    %swap3A_28 = arith.constant 0 : index
    %swap3A_29 = vector.load %arg4[%swap3A_26, %swap3A_27, %swap3A_28] : memref<2x1000x128xf32, #tpu.memory_space<vmem>>, vector<1x1000x128xf32>
    %swap3A_30 = vector.shape_cast %swap3A_29 : vector<1x1000x128xf32> to vector<1000x128xf32>
    %swap3A_31 = vector.shape_cast %slice3A_25 : vector<1000x128xf32> to vector<1x1000x128xf32>
    tpu.vector_store %arg4[%swap3A_26, %swap3A_27, %swap3A_28], %swap3A_31 {strides = array<i32>} : memref<2x1000x128xf32, #tpu.memory_space<vmem>>, vector<1x1000x128xf32>,
    return
  }
  func.func @transform_0(%arg0: i32) -> (i32, i32) {
    %c0_i32 = arith.constant 0 : i32
    %c0_i32_0 = arith.constant 0 : i32
    return %arg0, %c0_i32 : i32, i32
  }
  func.func @transform_1(%arg0: i32) -> (i32, i32) {
    %c0_i32 = arith.constant 0 : i32
    %c0_i32_0 = arith.constant 0 : i32
    %c0_i32_1 = arith.constant 0 : i32
    return %c0_i32, %c0_i32_0 : i32, i32
  }
  func.func @transform_2(%arg0: i32) -> (i32, i32, i32) {
    %c0_i32 = arith.constant 0 : i32
    %c0_i32_0 = arith.constant 0 : i32
    %c0_i32_1 = arith.constant 0 : i32
    return %c0_i32, %arg0, %c0_i32_0 : i32, i32, i32
  }
  func.func @transform_3(%arg0: i32) -> (i32, i32, i32) {
    %c0_i32 = arith.constant 0 : i32
    %c0_i32_0 = arith.constant 0 : i32
    %c0_i32_1 = arith.constant 0 : i32
    return %c0_i32, %arg0, %c0_i32_0 : i32, i32, i32
  }
}

module attributes {stable_mosaic.version = 14 : i64} {
  func.func @body(%arg0: i32, %arg1: memref<2x1000x128xf32, #tpu.memory_space<vmem>>, %arg2: memref<2x1000x128xf32, #tpu.memory_space<vmem>>, %arg3: memref<2x1000x1xf32, #tpu.memory_space<vmem>>, %arg4: memref<1x256xf32, #tpu.memory_space<vmem>>, %arg5: memref<256x256xf32, #tpu.memory_space<vmem>>, %arg6: memref<2x1000x128xf32, #tpu.memory_space<vmem>>) attributes {dimension_semantics = [#tpu.dimension_semantics<arbitrary>], iteration_bounds = array<i64: 10>, scalar_prefetch = 0 : i64, scratch_operands = 0 : i64, tpu.core_type = #tpu.core_type<tc>, window_params = [{transform_indices = @transform_0, window_bounds = array<i64: 2, 1000, 128>}, {transform_indices = @transform_1, window_bounds = array<i64: 2, 1000, 128>}, {transform_indices = @transform_2, window_bounds = array<i64: 2, 1000, 1>}, {pipeline_mode = #tpu.pipeline_mode<synchronous>, transform_indices = @transform_3, window_bounds = array<i64: 1, 256>}, {pipeline_mode = #tpu.pipeline_mode<synchronous>, transform_indices = @transform_4, window_bounds = array<i64: 256, 256>}, {transform_indices = @transform_5, window_bounds = array<i64: 2, 1000, 128>}]} {
    %get3A = arith.constant 0 : index
    %get3A_0 = arith.constant 0 : index
    %get3A_1 = arith.constant 0 : index
    %get3A_2 = vector.load %arg3[%get3A, %get3A_0, %get3A_1] : memref<2x1000x1xf32, #tpu.memory_space<vmem>>, vector<1x1000x1xf32>
    %get3A_3 = vector.shape_cast %get3A_2 : vector<1x1000x1xf32> to vector<1000x1xf32>
    %get3A_4 = arith.constant 1 : index
    %get3A_5 = arith.constant 0 : index
    %get3A_6 = arith.constant 0 : index
    %get3A_7 = vector.load %arg3[%get3A_4, %get3A_5, %get3A_6] : memref<2x1000x1xf32, #tpu.memory_space<vmem>>, vector<1x1000x1xf32>
    %get3A_8 = vector.shape_cast %get3A_7 : vector<1x1000x1xf32> to vector<1000x1xf32>
    %add3A = arith.addf %get3A_3, %get3A_8 : vector<1000x1xf32>
    %add3A_9 = arith.constant 1.000000e+00 : f32
    %add3A_10 = vector.broadcast %add3A_9 : f32 to vector<1000x1xf32>
    %add3A_11 = arith.addf %add3A, %add3A_10 : vector<1000x1xf32>
    %rsqrt3A = math.rsqrt %add3A_11 : vector<1000x1xf32>
    %get3A_12 = arith.constant 0 : index
    %get3A_13 = arith.constant 0 : index
    %get3A_14 = arith.constant 0 : index
    %get3A_15 = vector.load %arg1[%get3A_12, %get3A_13, %get3A_14] : memref<2x1000x128xf32, #tpu.memory_space<vmem>>, vector<1x1000x128xf32>
    %get3A_16 = vector.shape_cast %get3A_15 : vector<1x1000x128xf32> to vector<1000x128xf32>
    %get3A_17 = arith.constant 0 : index
    %get3A_18 = arith.constant 0 : index
    %get3A_19 = arith.constant 0 : index
    %get3A_20 = vector.load %arg2[%get3A_17, %get3A_18, %get3A_19] : memref<2x1000x128xf32, #tpu.memory_space<vmem>>, vector<1x1000x128xf32>
    %get3A_21 = vector.shape_cast %get3A_20 : vector<1x1000x128xf32> to vector<1000x128xf32>
    %add3A_22 = arith.addf %get3A_16, %get3A_21 : vector<1000x128xf32>
    %mul3A = vector.broadcast %rsqrt3A : vector<1000x1xf32> to vector<1000x128xf32>
    %mul3A_23 = arith.mulf %mul3A, %add3A_22 : vector<1000x128xf32>
    %get3A_24 = arith.constant 0 : index
    %get3A_25 = arith.constant 0 : index
    %get3A_26 = vector.load %arg4[%get3A_24, %get3A_25] : memref<1x256xf32, #tpu.memory_space<vmem>>, vector<1x128xf32>
    %get3A_27 = vector.shape_cast %get3A_26 : vector<1x128xf32> to vector<128xf32>
    %broadcast_in_dim3A = vector.shape_cast %get3A_27 : vector<128xf32> to vector<1x128xf32>
    %add3A_28 = vector.broadcast %broadcast_in_dim3A : vector<1x128xf32> to vector<1000x128xf32>
    %add3A_29 = arith.addf %mul3A_23, %add3A_28 : vector<1000x128xf32>
    %max3A = arith.constant 0.000000e+00 : f32
    %max3A_30 = vector.broadcast %max3A : f32 to vector<1000x128xf32>
    %max3A_31 = arith.maximumf %add3A_29, %max3A_30 : vector<1000x128xf32>
    %get3A_32 = arith.constant 1 : index
    %get3A_33 = arith.constant 0 : index
    %get3A_34 = arith.constant 0 : index
    %get3A_35 = vector.load %arg1[%get3A_32, %get3A_33, %get3A_34] : memref<2x1000x128xf32, #tpu.memory_space<vmem>>, vector<1x1000x128xf32>
    %get3A_36 = vector.shape_cast %get3A_35 : vector<1x1000x128xf32> to vector<1000x128xf32>
    %get3A_37 = arith.constant 1 : index
    %get3A_38 = arith.constant 0 : index
    %get3A_39 = arith.constant 0 : index
    %get3A_40 = vector.load %arg2[%get3A_37, %get3A_38, %get3A_39] : memref<2x1000x128xf32, #tpu.memory_space<vmem>>, vector<1x1000x128xf32>
    %get3A_41 = vector.shape_cast %get3A_40 : vector<1x1000x128xf32> to vector<1000x128xf32>
    %add3A_42 = arith.addf %get3A_36, %get3A_41 : vector<1000x128xf32>
    %mul3A_43 = vector.broadcast %rsqrt3A : vector<1000x1xf32> to vector<1000x128xf32>
    %mul3A_44 = arith.mulf %mul3A_43, %add3A_42 : vector<1000x128xf32>
    %get3A_45 = arith.constant 0 : index
    %get3A_46 = arith.constant 128 : index
    %get3A_47 = vector.load %arg4[%get3A_45, %get3A_46] : memref<1x256xf32, #tpu.memory_space<vmem>>, vector<1x128xf32>
    %get3A_48 = vector.shape_cast %get3A_47 : vector<1x128xf32> to vector<128xf32>
    %broadcast_in_dim3A_49 = vector.shape_cast %get3A_48 : vector<128xf32> to vector<1x128xf32>
    %add3A_50 = vector.broadcast %broadcast_in_dim3A_49 : vector<1x128xf32> to vector<1000x128xf32>
    %add3A_51 = arith.addf %mul3A_44, %add3A_50 : vector<1000x128xf32>
    %max3A_52 = arith.constant 0.000000e+00 : f32
    %max3A_53 = vector.broadcast %max3A_52 : f32 to vector<1000x128xf32>
    %max3A_54 = arith.maximumf %add3A_51, %max3A_53 : vector<1000x128xf32>
    %get3A_55 = arith.constant 0 : index
    %get3A_56 = arith.constant 0 : index
    %get3A_57 = vector.load %arg5[%get3A_55, %get3A_56] : memref<256x256xf32, #tpu.memory_space<vmem>>, vector<128x256xf32>
    %dot_general3A = arith.constant dense<0.000000e+00> : vector<1000x256xf32>
    %dot_general3A_58 = tpu.matmul %max3A_31, %get3A_57, %dot_general3A {dimension_numbers = #tpu.dot_dimension_numbers<[1], [0], [0], [1], [0, 0, 1, 1], [], []>, transpose_lhs_hint = false} : vector<1000x128xf32>, vector<128x256xf32>, vector<1000x256xf32> -> vector<1000x256xf32>
    %get3A_59 = arith.constant 128 : index
    %get3A_60 = arith.constant 0 : index
    %get3A_61 = vector.load %arg5[%get3A_59, %get3A_60] : memref<256x256xf32, #tpu.memory_space<vmem>>, vector<128x256xf32>
    %dot_general3A_62 = arith.constant dense<0.000000e+00> : vector<1000x256xf32>
    %dot_general3A_63 = tpu.matmul %max3A_54, %get3A_61, %dot_general3A_62 {dimension_numbers = #tpu.dot_dimension_numbers<[1], [0], [0], [1], [0, 0, 1, 1], [], []>, transpose_lhs_hint = false} : vector<1000x128xf32>, vector<128x256xf32>, vector<1000x256xf32> -> vector<1000x256xf32>
    %add3A_64 = arith.addf %dot_general3A_58, %dot_general3A_63 : vector<1000x256xf32>
    %mul3A_65 = vector.broadcast %rsqrt3A : vector<1000x1xf32> to vector<1000x256xf32>
    %mul3A_66 = arith.mulf %add3A_64, %mul3A_65 : vector<1000x256xf32>
    %slice3A = vector.extract_strided_slice %mul3A_66 {offsets = [0, 0], sizes = [1000, 128], strides = [1, 1]} : vector<1000x256xf32> to vector<1000x128xf32>
    %swap3A = arith.constant 0 : index
    %swap3A_67 = arith.constant 0 : index
    %swap3A_68 = arith.constant 0 : index
    %swap3A_69 = vector.load %arg6[%swap3A, %swap3A_67, %swap3A_68] : memref<2x1000x128xf32, #tpu.memory_space<vmem>>, vector<1x1000x128xf32>
    %swap3A_70 = vector.shape_cast %swap3A_69 : vector<1x1000x128xf32> to vector<1000x128xf32>
    %swap3A_71 = vector.shape_cast %slice3A : vector<1000x128xf32> to vector<1x1000x128xf32>
    tpu.vector_store %arg6[%swap3A, %swap3A_67, %swap3A_68], %swap3A_71 {strides = array<i32>} : memref<2x1000x128xf32, #tpu.memory_space<vmem>>, vector<1x1000x128xf32>,
    %slice3A_72 = vector.extract_strided_slice %mul3A_66 {offsets = [0, 128], sizes = [1000, 128], strides = [1, 1]} : vector<1000x256xf32> to vector<1000x128xf32>
    %swap3A_73 = arith.constant 1 : index
    %swap3A_74 = arith.constant 0 : index
    %swap3A_75 = arith.constant 0 : index
    %swap3A_76 = vector.load %arg6[%swap3A_73, %swap3A_74, %swap3A_75] : memref<2x1000x128xf32, #tpu.memory_space<vmem>>, vector<1x1000x128xf32>
    %swap3A_77 = vector.shape_cast %swap3A_76 : vector<1x1000x128xf32> to vector<1000x128xf32>
    %swap3A_78 = vector.shape_cast %slice3A_72 : vector<1000x128xf32> to vector<1x1000x128xf32>
    tpu.vector_store %arg6[%swap3A_73, %swap3A_74, %swap3A_75], %swap3A_78 {strides = array<i32>} : memref<2x1000x128xf32, #tpu.memory_space<vmem>>, vector<1x1000x128xf32>,
    return
  }
  func.func @transform_0(%arg0: i32) -> (i32, i32, i32) {
    %c0_i32 = arith.constant 0 : i32
    %c0_i32_0 = arith.constant 0 : i32
    %c0_i32_1 = arith.constant 0 : i32
    return %c0_i32, %arg0, %c0_i32_0 : i32, i32, i32
  }
  func.func @transform_1(%arg0: i32) -> (i32, i32, i32) {
    %c0_i32 = arith.constant 0 : i32
    %c0_i32_0 = arith.constant 0 : i32
    %c0_i32_1 = arith.constant 0 : i32
    return %c0_i32, %arg0, %c0_i32_0 : i32, i32, i32
  }
  func.func @transform_2(%arg0: i32) -> (i32, i32, i32) {
    %c0_i32 = arith.constant 0 : i32
    %c0_i32_0 = arith.constant 0 : i32
    %c0_i32_1 = arith.constant 0 : i32
    return %c0_i32, %arg0, %c0_i32_0 : i32, i32, i32
  }
  func.func @transform_3(%arg0: i32) -> (i32, i32) {
    %c0_i32 = arith.constant 0 : i32
    %c0_i32_0 = arith.constant 0 : i32
    %c0_i32_1 = arith.constant 0 : i32
    return %c0_i32, %c0_i32_0 : i32, i32
  }
  func.func @transform_4(%arg0: i32) -> (i32, i32) {
    %c0_i32 = arith.constant 0 : i32
    %c0_i32_0 = arith.constant 0 : i32
    %c0_i32_1 = arith.constant 0 : i32
    return %c0_i32, %c0_i32_0 : i32, i32
  }
  func.func @transform_5(%arg0: i32) -> (i32, i32, i32) {
    %c0_i32 = arith.constant 0 : i32
    %c0_i32_0 = arith.constant 0 : i32
    %c0_i32_1 = arith.constant 0 : i32
    return %c0_i32, %arg0, %c0_i32_0 : i32, i32, i32
  }
}

module attributes {stable_mosaic.version = 14 : i64} {
  func.func @body(%arg0: i32, %arg1: memref<2x1000x128xf32, #tpu.memory_space<vmem>>, %arg2: memref<2x1000x128xf32, #tpu.memory_space<vmem>>, %arg3: memref<2x1000x1xf32, #tpu.memory_space<vmem>>, %arg4: memref<1x128xf32, #tpu.memory_space<vmem>>, %arg5: memref<1x128xf32, #tpu.memory_space<vmem>>, %arg6: memref<1000x128xf32, #tpu.memory_space<vmem>>, %arg7: memref<1000x128xf32, #tpu.memory_space<vmem>>) attributes {dimension_semantics = [#tpu.dimension_semantics<arbitrary>], iteration_bounds = array<i64: 10>, scalar_prefetch = 0 : i64, scratch_operands = 0 : i64, tpu.core_type = #tpu.core_type<tc>, window_params = [{transform_indices = @transform_0, window_bounds = array<i64: 2, 1000, 128>}, {transform_indices = @transform_1, window_bounds = array<i64: 2, 1000, 128>}, {transform_indices = @transform_2, window_bounds = array<i64: 2, 1000, 1>}, {pipeline_mode = #tpu.pipeline_mode<synchronous>, transform_indices = @transform_3, window_bounds = array<i64: 1, 128>}, {pipeline_mode = #tpu.pipeline_mode<synchronous>, transform_indices = @transform_4, window_bounds = array<i64: 1, 128>}, {transform_indices = @transform_5, window_bounds = array<i64: 1000, 128>}, {transform_indices = @transform_6, window_bounds = array<i64: 1000, 128>}]} {
    %get3A = arith.constant 0 : index
    %get3A_0 = arith.constant 0 : index
    %get3A_1 = arith.constant 0 : index
    %get3A_2 = vector.load %arg3[%get3A, %get3A_0, %get3A_1] : memref<2x1000x1xf32, #tpu.memory_space<vmem>>, vector<1x1000x1xf32>
    %get3A_3 = vector.shape_cast %get3A_2 : vector<1x1000x1xf32> to vector<1000x1xf32>
    %get3A_4 = arith.constant 1 : index
    %get3A_5 = arith.constant 0 : index
    %get3A_6 = arith.constant 0 : index
    %get3A_7 = vector.load %arg3[%get3A_4, %get3A_5, %get3A_6] : memref<2x1000x1xf32, #tpu.memory_space<vmem>>, vector<1x1000x1xf32>
    %get3A_8 = vector.shape_cast %get3A_7 : vector<1x1000x1xf32> to vector<1000x1xf32>
    %add3A = arith.addf %get3A_3, %get3A_8 : vector<1000x1xf32>
    %add3A_9 = arith.constant 1.000000e+00 : f32
    %add3A_10 = vector.broadcast %add3A_9 : f32 to vector<1000x1xf32>
    %add3A_11 = arith.addf %add3A, %add3A_10 : vector<1000x1xf32>
    %rsqrt3A = math.rsqrt %add3A_11 : vector<1000x1xf32>
    %get3A_12 = arith.constant 0 : index
    %get3A_13 = arith.constant 0 : index
    %get3A_14 = arith.constant 0 : index
    %get3A_15 = vector.load %arg1[%get3A_12, %get3A_13, %get3A_14] : memref<2x1000x128xf32, #tpu.memory_space<vmem>>, vector<1x1000x128xf32>
    %get3A_16 = vector.shape_cast %get3A_15 : vector<1x1000x128xf32> to vector<1000x128xf32>
    %get3A_17 = arith.constant 0 : index
    %get3A_18 = arith.constant 0 : index
    %get3A_19 = arith.constant 0 : index
    %get3A_20 = vector.load %arg2[%get3A_17, %get3A_18, %get3A_19] : memref<2x1000x128xf32, #tpu.memory_space<vmem>>, vector<1x1000x128xf32>
    %get3A_21 = vector.shape_cast %get3A_20 : vector<1x1000x128xf32> to vector<1000x128xf32>
    %add3A_22 = arith.addf %get3A_16, %get3A_21 : vector<1000x128xf32>
    %mul3A = vector.broadcast %rsqrt3A : vector<1000x1xf32> to vector<1000x128xf32>
    %mul3A_23 = arith.mulf %mul3A, %add3A_22 : vector<1000x128xf32>
    %get3A_24 = arith.constant 0 : index
    %get3A_25 = arith.constant 0 : index
    %get3A_26 = vector.load %arg4[%get3A_24, %get3A_25] : memref<1x128xf32, #tpu.memory_space<vmem>>, vector<1x128xf32>
    %get3A_27 = vector.shape_cast %get3A_26 : vector<1x128xf32> to vector<128xf32>
    %broadcast_in_dim3A = vector.shape_cast %get3A_27 : vector<128xf32> to vector<1x128xf32>
    %add3A_28 = vector.broadcast %broadcast_in_dim3A : vector<1x128xf32> to vector<1000x128xf32>
    %add3A_29 = arith.addf %mul3A_23, %add3A_28 : vector<1000x128xf32>
    %swap3A = arith.constant 0 : index
    %swap3A_30 = arith.constant 0 : index
    %swap3A_31 = vector.load %arg6[%swap3A, %swap3A_30] : memref<1000x128xf32, #tpu.memory_space<vmem>>, vector<1000x128xf32>
    tpu.vector_store %arg6[%swap3A, %swap3A_30], %add3A_29 {strides = array<i32>} : memref<1000x128xf32, #tpu.memory_space<vmem>>, vector<1000x128xf32>,
    %get3A_32 = arith.constant 1 : index
    %get3A_33 = arith.constant 0 : index
    %get3A_34 = arith.constant 0 : index
    %get3A_35 = vector.load %arg1[%get3A_32, %get3A_33, %get3A_34] : memref<2x1000x128xf32, #tpu.memory_space<vmem>>, vector<1x1000x128xf32>
    %get3A_36 = vector.shape_cast %get3A_35 : vector<1x1000x128xf32> to vector<1000x128xf32>
    %get3A_37 = arith.constant 1 : index
    %get3A_38 = arith.constant 0 : index
    %get3A_39 = arith.constant 0 : index
    %get3A_40 = vector.load %arg2[%get3A_37, %get3A_38, %get3A_39] : memref<2x1000x128xf32, #tpu.memory_space<vmem>>, vector<1x1000x128xf32>
    %get3A_41 = vector.shape_cast %get3A_40 : vector<1x1000x128xf32> to vector<1000x128xf32>
    %add3A_42 = arith.addf %get3A_36, %get3A_41 : vector<1000x128xf32>
    %mul3A_43 = vector.broadcast %rsqrt3A : vector<1000x1xf32> to vector<1000x128xf32>
    %mul3A_44 = arith.mulf %mul3A_43, %add3A_42 : vector<1000x128xf32>
    %get3A_45 = arith.constant 0 : index
    %get3A_46 = arith.constant 0 : index
    %get3A_47 = vector.load %arg5[%get3A_45, %get3A_46] : memref<1x128xf32, #tpu.memory_space<vmem>>, vector<1x128xf32>
    %get3A_48 = vector.shape_cast %get3A_47 : vector<1x128xf32> to vector<128xf32>
    %broadcast_in_dim3A_49 = vector.shape_cast %get3A_48 : vector<128xf32> to vector<1x128xf32>
    %add3A_50 = vector.broadcast %broadcast_in_dim3A_49 : vector<1x128xf32> to vector<1000x128xf32>
    %add3A_51 = arith.addf %mul3A_44, %add3A_50 : vector<1000x128xf32>
    %swap3A_52 = arith.constant 0 : index
    %swap3A_53 = arith.constant 0 : index
    %swap3A_54 = vector.load %arg7[%swap3A_52, %swap3A_53] : memref<1000x128xf32, #tpu.memory_space<vmem>>, vector<1000x128xf32>
    tpu.vector_store %arg7[%swap3A_52, %swap3A_53], %add3A_51 {strides = array<i32>} : memref<1000x128xf32, #tpu.memory_space<vmem>>, vector<1000x128xf32>,
    return
  }
  func.func @transform_0(%arg0: i32) -> (i32, i32, i32) {
    %c0_i32 = arith.constant 0 : i32
    %c0_i32_0 = arith.constant 0 : i32
    %c0_i32_1 = arith.constant 0 : i32
    return %c0_i32, %arg0, %c0_i32_0 : i32, i32, i32
  }
  func.func @transform_1(%arg0: i32) -> (i32, i32, i32) {
    %c0_i32 = arith.constant 0 : i32
    %c0_i32_0 = arith.constant 0 : i32
    %c0_i32_1 = arith.constant 0 : i32
    return %c0_i32, %arg0, %c0_i32_0 : i32, i32, i32
  }
  func.func @transform_2(%arg0: i32) -> (i32, i32, i32) {
    %c0_i32 = arith.constant 0 : i32
    %c0_i32_0 = arith.constant 0 : i32
    %c0_i32_1 = arith.constant 0 : i32
    return %c0_i32, %arg0, %c0_i32_0 : i32, i32, i32
  }
  func.func @transform_3(%arg0: i32) -> (i32, i32) {
    %c0_i32 = arith.constant 0 : i32
    %c0_i32_0 = arith.constant 0 : i32
    %c0_i32_1 = arith.constant 0 : i32
    return %c0_i32, %c0_i32_0 : i32, i32
  }
  func.func @transform_4(%arg0: i32) -> (i32, i32) {
    %c0_i32 = arith.constant 0 : i32
    %c0_i32_0 = arith.constant 0 : i32
    %c0_i32_1 = arith.constant 0 : i32
    return %c0_i32, %c0_i32_0 : i32, i32
  }
  func.func @transform_5(%arg0: i32) -> (i32, i32) {
    %c0_i32 = arith.constant 0 : i32
    %c0_i32_0 = arith.constant 0 : i32
    return %arg0, %c0_i32 : i32, i32
  }
  func.func @transform_6(%arg0: i32) -> (i32, i32) {
    %c0_i32 = arith.constant 0 : i32
    %c0_i32_0 = arith.constant 0 : i32
    return %arg0, %c0_i32 : i32, i32
  }
}

</mosaic_0001>

<sc_bundles>
// kernel: kernel.11.cloned.1.call-start
scs
__scs_entry_jumppad:
0x0: {  	(pc) =	sbr.rel $0x88, $3  }
0x1: {  	(tag) =	ssettag $0x0;
	lr =	simm.s32 $0x1  }
0x2: {  	[smem:$0x3F99] =	sst lr;
	_ =	strace $0xD0000000  }
0x3: {  	_ = 	snop  }
0x4: {  	_ = 	snop  }
0x5: {  	_ = 	snop  }
0x6: {  	_ = 	snop  }
0x7: {  	_ = 	snop  }
__scs_overlays_trampoline_lowered:
0x8: {  	[smem:$0x3FA8] =	sst s0  }
0x9: {  	[smem:$0x3FA9] =	sst s1  }
0xa: {  	[smem:$0x3FAA] =	sst s2  }
0xb: {  	[smem:$0x3FAB] =	sst s3  }
0xc: {  	[smem:$0x3FAC] =	sst s4  }
0xd: {  	[smem:$0x3FAD] =	sst s5  }
0xe: {  	[smem:$0x3FAE] =	sst s6  }
0xf: {  	[smem:$0x3FAF] =	sst s7  }
0x10: {  	[smem:$0x3FB0] =	sst s8  }
0x11: {  	[smem:$0x3FB1] =	sst s9;
	s0 =	simm.s32 @!p0 $0x0  }
0x12: {  	s1 =	sld [smem:$0x3F97];
	s0 =	simm.s32 @p0 $0x1  }
0x13: {  	[smem:$0x3FB2] =	sst s0;
	s0 =	simm.s32 @!p1 $0x0  }
0x14: {  	s2 =	sld [smem:$0x3F96];
	s0 =	simm.s32 @p1 $0x1  }
0x15: {  	[smem:$0x3FB3] =	sst s0;
	s0 =	simm.s32 @!p2 $0x0  }
0x16: {  	s3 =	sld [smem:$0x3FDB];
	s0 =	simm.s32 @p2 $0x1  }
0x17: {  	s4 =	simm.s32 $0x1BF5;
	[smem:$0x3FB5] =	sst s0  }
0x18: {  	s0 =	sld [smem:$0x3F98];
	_ =	swait.ge [sflag:s4], $0x0  }
0x19: {  	s7 =	sld [smem:$0x3F99]  }
0x1a: {  	s8 =	sadd.s32 $0xFFFFE003, lr  }
0x1b: {  	s9 =	sadd.s32 $0xFFFFFEF7, lr;
	s5 =	simm.s32 $0xFFFFFFFF;
	p2 =	slt.u32 s8, $0xFFFFF086  }
0x1c: {  	p1 =	slt.u32 s9, $0xF7A;
	s5 =	simm.s32 @!p2 $0x0  }
0x1d: {  	s5 =	simm.s32 @p1 $0x1;
	p0 =	seq.s32 s7, s2  }
0x1e: {  	s7 =	smul.u32 @!p0 $0xF7A, s2;
	p2 =	seq.s32 @!p0 s5, $0x0  }
0x1f: {  	s9 =	smul.u32 $0xF7A, s1;
	s8 =	simm.s32 @!p0 $0x1BF5;
	p2 =	por !p2, p0  }
0x20: {  	[sflag:s8] =	ssyncset.s32 @!p0 $0xFFFFF086;
	s6 =	sadd.s32 @!p0 s3, s7;
	s7 =	simm.s32 @!p0 $0x108  }
0x21: {  	s3 =	sadd.s32 s3, s9;
	s6 =	sadd.s32 @!p0 $0x88, s6;
	s7 =	simm.s32 @p2 $0x1082  }
0x22: {  	[simem:s7], [sflag:s8] =	dma.local @!p0 [hbm:s6], $0xF7A  }
0x23: {  	s9 =	sor.u32 $0xD0000000, s2;
	s6 =	simm.s32 $0x108;
	_ =	swait.ge @!p0 [sflag:s8], $0x0  }
0x24: {  	s3 =	sadd.s32 $0x88, s3;
	s6 =	simm.s32 @!p1 $0x1082;
	[sflag:s4] =	ssyncset.s32 $0xFFFFF086  }
0x25: {  	[simem:s6], [sflag:s4] =	dma.local [hbm:s3], $0xF7A  }
0x26: {  	[smem:$0x3F99] =	sst s1;
	(tag) =	ssettag s2;
	_ =	strace s9  }
0x27: {  	s1 =	sld [smem:$0x3FA9]  }
0x28: {  	s2 =	sld [smem:$0x3FAA]  }
0x29: {  	s4 =	sld [smem:$0x3FAC]  }
0x2a: {  	p0 =	seq.s32 s5, $0x0;
	s5 =	sld [smem:$0x3FAD]  }
0x2b: {  	s6 =	sld [smem:$0x3FAE]  }
0x2c: {  	s7 =	sld [smem:$0x3FAF]  }
0x2d: {  	s3 =	simm.s32 $0x108;
	s8 =	sld [smem:$0x3FB0]  }
0x2e: {  	s3 =	simm.s32 @!p0 $0x1082;
	s9 =	sld [smem:$0x3FB1]  }
0x2f: {  	lr =	sadd.s32 s0, s3;
	s0 =	sld [smem:$0x3FA8]  }
0x30: {  	s3 =	sld [smem:$0x3FAB]  }
0x31: {  	[smem:$0x3FB4] =	sst s10  }
0x32: {  	s10 =	sld [smem:$0x3FB2];
	_ =	sdelay $0x3  }
0x33: {  	p0 =	seq.s32 s10, $0x1;
	s10 =	sld [smem:$0x3FB4];
	_ =	sdelay $0x3  }
0x34: {  	[smem:$0x3FB4] =	sst s10  }
0x35: {  	s10 =	sld [smem:$0x3FB3];
	_ =	sdelay $0x3  }
0x36: {  	p1 =	seq.s32 s10, $0x1;
	s10 =	sld [smem:$0x3FB4];
	_ =	sdelay $0x3  }
0x37: {  	[smem:$0x3FB4] =	sst s10  }
0x38: {  	s10 =	sld [smem:$0x3FB5]  }
0x39: {  	_ = 	snop;
	(pc) =	sbr.ind lr, $3  }
0x3a: {  	_ = 	snop  }
0x3b: {  	_ = 	snop  }
0x3c: {  	p2 =	seq.s32 s10, $0x1;
	s10 =	sld [smem:$0x3FB4]  }
0x3d: {  	_ =	shalt  }
0x3e: {  	_ =	shalt  }
0x3f: {  	_ =	shalt  }
0x40: {  	_ =	shalt  }
0x41: {  	_ =	shalt  }
0x42: {  	_ =	shalt  }
0x43: {  	_ =	shalt  }
0x44: {  	_ =	shalt  }
0x45: {  	_ =	shalt  }
0x46: {  	_ =	shalt  }
0x47: {  	_ =	shalt  }
0x48: {  	_ =	shalt  }
0x49: {  	_ =	shalt  }
0x4a: {  	_ =	shalt  }
0x4b: {  	_ =	shalt  }
0x4c: {  	_ =	shalt  }
0x4d: {  	_ =	shalt  }
0x4e: {  	_ =	shalt  }
0x4f: {  	_ =	shalt  }
0x50: {  	_ =	shalt  }
0x51: {  	_ =	shalt  }
0x52: {  	_ =	shalt  }
0x53: {  	_ =	shalt  }
0x54: {  	_ =	shalt  }
0x55: {  	_ =	shalt  }
0x56: {  	_ =	shalt  }
0x57: {  	_ =	shalt  }
0x58: {  	_ =	shalt  }
0x59: {  	_ =	shalt  }
0x5a: {  	_ =	shalt  }
0x5b: {  	_ =	shalt  }
0x5c: {  	_ =	shalt  }
0x5d: {  	_ =	shalt  }
0x5e: {  	_ =	shalt  }
0x5f: {  	_ =	shalt  }
0x60: {  	_ =	shalt  }
0x61: {  	_ =	shalt  }
0x62: {  	_ =	shalt  }
0x63: {  	_ =	shalt  }
0x64: {  	_ =	shalt  }
0x65: {  	_ =	shalt  }
0x66: {  	_ =	shalt  }
0x67: {  	_ =	shalt  }
0x68: {  	_ =	shalt  }
0x69: {  	_ =	shalt  }
0x6a: {  	_ =	shalt  }
0x6b: {  	_ =	shalt  }
0x6c: {  	_ =	shalt  }
0x6d: {  	_ =	shalt  }
0x6e: {  	_ =	shalt  }
0x6f: {  	_ =	shalt  }
0x70: {  	_ =	shalt  }
0x71: {  	_ =	shalt  }
0x72: {  	_ =	shalt  }
0x73: {  	_ =	shalt  }
0x74: {  	_ =	shalt  }
0x75: {  	_ =	shalt  }
0x76: {  	_ =	shalt  }
0x77: {  	_ =	shalt  }
0x78: {  	_ =	shalt  }
0x79: {  	_ =	shalt  }
0x7a: {  	_ =	shalt  }
0x7b: {  	_ =	shalt  }
0x7c: {  	_ =	shalt  }
0x7d: {  	_ =	shalt  }
0x7e: {  	_ =	shalt  }
0x7f: {  	_ =	shalt  }
0x80: {  	_ =	shalt  }
0x81: {  	_ =	shalt  }
0x82: {  	_ =	shalt  }
0x83: {  	_ =	shalt  }
0x84: {  	_ =	shalt  }
0x85: {  	_ =	shalt  }
0x86: {  	_ =	shalt  }
0x87: {  	_ =	shalt  }
.Lfunc_end0:
.L_simem_size_0:
called_computation.1_lowered:
.L_overlay_start_0:
0x88: {  	s2 =	sld [smem:$0x3FD9]  }
0x89: {  	s3 =	sld [smem:$0x3FFE];
	_ =	sdelay $0x1  }
0x8a: {  	s1 =	srdreg.scid  }
0x8b: {  	s0 =	sand.u32 $0x1, s1  }
0x8c: {  	s14 =	sshll.u32 s0, $0xA;
	s2 =	sadd.s32 s3, s2  }
0x8d: {  	s2 =	sadd.s32 s2, s14  }
0x8e: {  	[smem:$0x3FC0] =	sst s2  }
0x8f: {  	_ = 	snop  }
0x90: {  	s2 =	sld [smem:$0x3FD0];
	_ =	sdelay $0x2  }
0x91: {  	s15 =	simm.s32 $0xA;
	s4 =	simm.s32 $0x10  }
0x92: {  	[smem:s4], [sflag:s15] =	dma.local [hbm:s2], $0x1  }
0x93: {  	_ =	swait.eq [sflag:s15], $0x1  }
0x94: {  	[sflag:s15] =	ssyncset.done $0x0  }
0x95: {  	s16 =	sld [smem:$0x10];
	[sflag:s15] =	ssyncadd.s32 $0xFFFFFFFF  }
0x96: {  	s17 =	sld [smem:$0x11];
	(tm) =	ssettm $0x1  }
0x97: {  	s18 =	sld [smem:$0x3FFB];
	_ =	sdelay $0x3  }
0x98: {  	_ =	strace s18  }
0x99: {  	s4 =	sld [smem:$0x3FFC];
	_ =	sdelay $0x3  }
0x9a: {  	_ =	strace s4  }
0x9b: {  	s4 =	sld [smem:$0x3FFD];
	_ =	sdelay $0x3  }
0x9c: {  	_ =	strace s4  }
0x9d: {  	_ =	strace $0x8FFFFFFF  }
0x9e: {  	s19 =	sld [smem:$0x3FDB];
	_ =	sdelay $0x1  }
0x9f: {  	s5 =	simm.s32 $_scs_section_size  }
0xa0: {  	s6 =	simm.s32 $_size__tile_overlayer_lowered;
	s7 =	simm.s32 $_tile_overlayer_lowered  }
0xa1: {  	s22 =	simm.s32 $0x1BFF;
	s21 =	sshll.u32 s7, $0x1;
	s4 =	sadd.s32 s5, s19  }
0xa2: {  	s8 =	simm.s32 $0x0;
	s20 =	sshll.u32 s6, $0x1;
	s6 =	sadd.s32 s21, s4  }
0xa3: {  	[timem:s8], [sflag:s22] =	dma.local [hbm:s6], s20  }
0xa4: {  	_ =	swait.ge [sflag:s22], s20  }
0xa5: {  	s5 =	ssub.s32 $0x0, s20;
	[sflag:s22] =	ssyncset.done $0x0  }
0xa6: {  	[sflag:s22] =	ssyncadd.s32 s5;
	_ =	sdelay $0x1  }
0xa7: {  	s23 =	simm.s32 $0x1B8B  }
0xa8: {  	_ =	swait.ge [sflag:s23], $0x1  }
0xa9: {  	[sflag:s23] =	ssyncset.done $0x0  }
0xaa: {  	s25 =	simm.s32 $0x1B8E;
	s24 =	sld [smem:$0x3FFE];
	[sflag:s23] =	ssyncadd.s32 $0xFFFFFFFF  }
0xab: {  	s26 =	simm.s32 $execute0_lowered;
	[smem:$0x3FD2] =	sst s25  }
0xac: {  	s6 =	sshll.u32 s26, $0x1;
	_ =	strace $0x80000049;
	[dreg:$0x1] =	wrdreg $0xFFFFFFFF  }
0xad: {  	s28 =	simm.s32 $_size_execute0_lowered;
	s4 =	sadd.s32 s4, s6;
	[dreg:$0x0] =	wrdreg $0x0  }
0xae: {  	s6 =	sshll.u32 s28, $0x1;
	[dreg:$0x2] =	wrdreg s4  }
0xaf: {  	[dreg:$0x3] =	wrdreg s6  }
0xb0: {  	[dreg:$0x4] =	wrdreg $0xC0  }
0xb1: {  	_ =	task [dreg:s8], $0x5FFFF  }
0xb2: {  	[dreg:$0x1] =	wrdreg $0xFFFFFFFF  }
0xb3: {  	[dreg:$0x0] =	wrdreg $0x60  }
0xb4: {  	[dreg:$0x2] =	wrdreg s24  }
0xb5: {  	[dreg:$0x3] =	wrdreg s17  }
0xb6: {  	[dreg:$0x4] =	wrdreg s16  }
0xb7: {  	[dreg:$0x5] =	wrdreg $0x37A00  }
0xb8: {  	[dreg:$0x6] =	wrdreg $0x9  }
0xb9: {  	_ =	task.clear_ibuf [dreg:s8], $0x7FFFF;
	_ =	strace $0x90000049  }
0xba: {  	s29 =	simm.s32 $0x9;
	_ =	strace $0x8000004B  }
0xbb: {  	_ =	swait.ge [sflag:s29], $0x1  }
0xbc: {  	[sflag:s29] =	ssyncadd.s32 $0xFFFFFFFF  }
0xbd: {  	_ =	strace $0x9000004B  }
0xbe: {  	_ =	sfence  }
0xbf: {  	s30 =	sld [smem:$0x0];
	_ =	sdelay $0x2  }
0xc0: {  	s31 =	sshll.u32 s1, $0xD;
	s1 =	sshrl.u32 s1, $0x2  }
0xc1: {  	s3 =	sand.u32 $0x4000, s31;
	s1 =	sadd.s32 s1, s30  }
0xc2: {  	s0 =	sor.u32 s3, s0;
	s1 =	sshll.u32 s1, $0x11  }
0xc3: {  	s0 =	sor.u32 s1, s0  }
0xc4: {  	s0 =	sadd.s32 $0x8F2B, s0  }
0xc5: {  	[sflag:s0] =	ssyncadd.remote.s32 $0x1  }
0xc6: {  	_ =	sfence.sel $0xFFFF  }
0xc7: {  	[dreg:$0x0] =	wrdreg $0xFFFFFFFF;
	(pc) =	sbr.abs _section_cstart, $3  }
0xc8: {  	[dreg:$0x1] =	wrdreg $0xFFFFFFFF  }
0xc9: {  	_ =	task.clear_ibuf [dreg:s8], $0x2FFFF;
	_ =	strace $0x9FFFFFFF  }
0xca: {  	(tm) =	ssettm $0x7FFFFFFF  }
0xcb: {  	_ =	shalt  }
tec
execute0_lowered:
.L_overlay_start_1:
0x0: {  	(tag) =	ssettag $0x1  }
0x1: {  	s7 =	rddreg [dreg:$0x0]  }
0x2: {  	s1 =	rddreg [dreg:$0x1]  }
0x3: {  	s3 =	rddreg [dreg:$0x2]  }
0x4: {  	s4 =	rddreg [dreg:$0x3]  }
0x5: {  	s0 =	rddreg [dreg:$0x4]  }
0x6: {  	s2 =	stileid.u32;
	s6 =	srdreg.scid  }
0x7: {  	s5 =	simm.s32 $0x0;
	s8 =	smul.u32 $0x13C00, s2;
	s9 =	sand.u32 $0x1, s6  }
0x8: {  	s15 =	simm.s32 $0xFA0;
	[smem:$0x7FF] =	sst s5;
	s10 =	smul.u32 $0x27800, s9  }
0x9: {  	s6 =	sadd.s32 $0x50A00, s7;
	s31 =	sshll.u32 s2, $0x6;
	s14 =	smul.u32 $0x2710, s9  }
0xa: {  	_ =	strace $0x8000004A;
	s11 =	ssub.s32 $0x2, s9;
	s9 =	smul.u32 $0xFA, s2  }
0xb: {  	s16 =	sshrl.u32 s8, $0x3;
	s30 =	sshrl.u32 s11, $0x1;
	s13 =	sadd.s32 s8, s4  }
0xc: {  	s8 =	sor.u32 $0x1C01, s31;
	s12 =	sadd.s32 s16, s7;
	s10 =	sadd.s32 s10, s7  }
0xd: {  	s11 =	ssub.s32 s11, s30;
	v0 =	vmov s14;
	s14 =	simm.s32 $0x50;
	s7 =	sadd.s32 $0x9EC00, s12  }
0xe: {  	s17 =	sadd.s32 $0xC6400, s10;
	s10 =	smax.u32 s11, $0x1;
	s11 =	sshrl.u32 s13, $0x3  }
0xf: {  	s12 =	simm.s32 $0x1;
	s13 =	simm.s32 $0x7D0;
	s16 =	sadd.s32 s16, s17  }
.LBB2_1:
0x10: {  	[spmem:s11], [sflag:s8] =	dma.local [hbm:s7], $0x2780  }
0x11: {  	_ =	swait.ge [sflag:s12], $0x2780  }
0x12: {  	[sflag:s12] =	ssyncset.done $0x0  }
0x13: {  	[sflag:s12] =	ssyncadd.s32 $0xFFFFD880  }
0x14: {  	s17 =	simm.s32 $0x0;
	[bflag:$0x0] =	sbarrier.arrive $0xFFFF  }
.LBB2_2:
0x15: {  	s18 =	smul.u32 $0x19, s17;
	_ =	sdelay $0x1  }
0x16: {  	s18 =	sadd.s32 s9, s18  }
0x17: {  	s18 =	smul.u32 $0xA, s18;
	_ =	sdelay $0x1  }
0x18: {  	s20 =	simm.s32 $0x0;
	s19 =	sadd.s32 s1, s18  }
0x19: {  	[tilespmem:s20], [sflag:$0x1] =	stream.linear.gather [hbm4b:s19+s20], $0x7D0, $0x38;
	[tilespmem:$0x173A0] =	vst v63  }
0x1a: {  	_ =	swait.ge [sflag:s12], $0x7D0  }
0x1b: {  	[sflag:s12] =	ssyncset.done $0x0  }
0x1c: {  	s18 =	sadd.s32 s3, s18;
	[sflag:s12] =	ssyncadd.s32 $0xFFFFF830  }
0x1d: {  	[tilespmem:s13], [sflag:$0x1] =	stream.linear.gather [hbm4b:s18+s20], $0x7D0, $0x38;
	[tilespmem:$0x173A0] =	vst v63  }
0x1e: {  	_ =	swait.ge [sflag:s12], $0x7D0  }
0x1f: {  	[sflag:s12] =	ssyncset.done $0x0  }
0x20: {  	s18 =	simm.s32 $0x0;
	[sflag:s12] =	ssyncadd.s32 $0xFFFFF830  }
0x21: {  	v4 =	vld [tilespmem:s18+$0x0]  }
0x22: {  	v3 =	vld [tilespmem:s18+$0x10]  }
0x23: {  	v2 =	vld [tilespmem:s18+$0x20]  }
0x24: {  	s19 =	simm.s32 $0x140;
	v1 =	vld [tilespmem:s18+$0x30]  }
.LBB2_3:
0x25: {  	p0 =	sne.s32 s19, $0x1E00;
	v5 =	vld [tilespmem:s18+$0x40]  }
0x26: {  	v4 =	vadd.s32 v0, v4  }
.Ltmp0:
0x27: {  	s20 =	sshra.s32 s19, $0x2;
	[tilespmem:s18+$0x0] =	vst v4;
	v3 =	vadd.s32 v0, v3;
	(pc) =	sbr.rel @p0 .LBB2_3-.Ltmp0, $4  }
0x28: {  	v4 =	vld [tilespmem:s20+$0x0];
	[tilespmem:s18+$0x10] =	vst v3;
	v2 =	vadd.s32 v0, v2  }
0x29: {  	v3 =	vld [tilespmem:s20+$0x10];
	[tilespmem:s18+$0x20] =	vst v2;
	v1 =	vadd.s32 v0, v1  }
0x2a: {  	v2 =	vld [tilespmem:s20+$0x20];
	[tilespmem:s18+$0x30] =	vst v1;
	v5 =	vadd.s32 v0, v5  }
0x2b: {  	s19 =	sadd.s32 $0x140, s19;
	v1 =	vld [tilespmem:s20+$0x30];
	[tilespmem:s18+$0x40] =	vst v5;
	s18 =	smov.u32 s20  }
0x2c: {  	v5 =	vld [tilespmem:s18+$0x40]  }
0x2d: {  	v4 =	vadd.s32 v0, v4  }
0x2e: {  	[tilespmem:s18+$0x0] =	vst v4;
	v3 =	vadd.s32 v0, v3  }
0x2f: {  	[tilespmem:s18+$0x10] =	vst v3;
	v2 =	vadd.s32 v0, v2  }
0x30: {  	[tilespmem:s18+$0x20] =	vst v2;
	v1 =	vadd.s32 v0, v1  }
0x31: {  	[tilespmem:s18+$0x30] =	vst v1;
	v1 =	vadd.s32 v0, v5  }
0x32: {  	s30 =	simm.s32 $0x0;
	[tilespmem:s18+$0x40] =	vst v1  }
0x33: {  	[tilespmem:s15], [sflag:$0x1] =	stream.indirect.gather [hbm4b:s6+s14], $0x80, s30, s14, $0xb8;
	[tilespmem:$0x173A0] =	vst v63  }
0x34: {  	_ =	swait.ge [sflag:s12], $0x2800  }
0x35: {  	[sflag:s12] =	ssyncset.done $0x0  }
0x36: {  	s31 =	simm.s32 $0x7D0;
	[sflag:s12] =	ssyncadd.s32 $0xFFFFD800  }
0x37: {  	[spmem:s4] =	stream.indirect.scatter.add.f32 [tilespmem:s15], [sflag:$0x1], $0x80, s31, s14, $0xb8;
	[tilespmem:$0x173A0] =	vst v63  }
0x38: {  	_ =	swait.ge [sflag:s12], $0x2800  }
0x39: {  	s19 =	simm.s32 $0x280;
	s18 =	simm.s32 $0x140;
	[sflag:s12] =	ssyncset.done $0x0  }
.LBB2_5:
0x3a: {  	s20 =	sshra.s32 s18, $0x2  }
0x3b: {  	[sflag:s12] =	ssyncadd.s32 $0xFFFFD800;
	s18 =	smov.u32 s19;
	s21 =	sadd.s32 $0x140, s19  }
0x3c: {  	[tilespmem:s15], [sflag:$0x1] =	stream.indirect.gather [hbm4b:s6+s14], $0x80, s20, s14, $0xb8;
	[tilespmem:$0x173A0] =	vst v63  }
0x3d: {  	p0 =	sne.s32 s19, $0x1E00;
	_ =	swait.ge [sflag:s12], $0x2800  }
.Ltmp1:
0x3e: {  	[sflag:s12] =	ssyncset.done $0x0;
	(pc) =	sbr.rel @p0 .LBB2_5-.Ltmp1, $4  }
0x3f: {  	s19 =	sadd.s32 $0x7D0, s20;
	[sflag:s12] =	ssyncadd.s32 $0xFFFFD800  }
0x40: {  	[spmem:s4] =	stream.indirect.scatter.add.f32 [tilespmem:s15], [sflag:$0x1], $0x80, s19, s14, $0xb8;
	[tilespmem:$0x173A0] =	vst v63  }
0x41: {  	_ =	swait.ge [sflag:s12], $0x2800  }
0x42: {  	s19 =	smov.u32 s21;
	[sflag:s12] =	ssyncset.done $0x0  }
0x43: {  	s18 =	sshra.s32 s18, $0x2;
	[sflag:s12] =	ssyncadd.s32 $0xFFFFD800  }
0x44: {  	[tilespmem:s15], [sflag:$0x1] =	stream.indirect.gather [hbm4b:s6+s14], $0x80, s18, s14, $0xb8;
	[tilespmem:$0x173A0] =	vst v63  }
0x45: {  	s17 =	sadd.s32 $0x1, s17;
	_ =	swait.ge [sflag:s12], $0x2800  }
0x46: {  	p0 =	sne.s32 s17, $0xA;
	[sflag:s12] =	ssyncset.done $0x0  }
.Ltmp2:
0x47: {  	s18 =	sadd.s32 $0x7D0, s18;
	[sflag:s12] =	ssyncadd.s32 $0xFFFFD800;
	(pc) =	sbr.rel @p0 .LBB2_2-.Ltmp2, $4  }
0x48: {  	[spmem:s4] =	stream.indirect.scatter.add.f32 [tilespmem:s15], [sflag:$0x1], $0x80, s18, s14, $0xb8;
	[tilespmem:$0x173A0] =	vst v63  }
0x49: {  	_ =	swait.ge [sflag:s12], $0x2800  }
0x4a: {  	[sflag:s12] =	ssyncset.done $0x0  }
0x4b: {  	[sflag:s12] =	ssyncadd.s32 $0xFFFFD800  }
0x4c: {  	s5 =	sadd.s32 $0x1, s5  }
0x4d: {  	p0 =	sne.s32 s5, s10  }
.Ltmp3:
0x4e: {  	[bflag:$0x0] =	sbarrier.arrive $0xFFFF;
	(pc) =	sbr.rel @p0 .LBB2_1-.Ltmp3, $4  }
0x4f: {  	[hbm:s16], [sflag:s8] =	dma.local [spmem:s11], $0x2780  }
0x50: {  	_ =	swait.ge [sflag:s12], $0x2780  }
0x51: {  	[sflag:s12] =	ssyncset.done $0x0  }
0x52: {  	[sflag:s12] =	ssyncadd.s32 $0xFFFFD880  }
0x53: {  	_ =	sfence.sel $0x180000  }
0x54: {  	[bflag:$0x0] =	sbarrier.arrive $0xFFFF  }
0x55: {  	p0 =	sne.s32 s2, $0x0;
	_ =	strace $0x9000004A  }
0x56: {  	s0 =	sadd.s32 @!p0 $0x100000, s0;
	[bflag:$0x2] =	sbarrier.arrive $0xFFFF  }
0x57: {  	[sflag:s0] =	ssyncadd.tile.s32 @!p0 $0x1;
	_ =	shalt  }
.Lfunc_end2:
_tile_overlayer_lowered:
.L_overlay_start_2:
0x58: {  	(tag) =	ssettag $0x2  }
0x59: {  	s0 =	rddreg [dreg:$0x0];
	s2 =	stileid.u32  }
0x5a: {  	s1 =	rddreg [dreg:$0x1];
	p0 =	sne.s32 s2, $0x0  }
0x5b: {  	s3 =	rddreg [dreg:$0x2];
	[bflag:$0x3] =	sbarrier.arrive $0xFFFF;
	s2 =	simm.s32 @!p0 $0x1C01  }
0x5c: {  	[timem:s3], [sflag:s2] =	dma.local @!p0 [hbm:s0], s1  }
0x5d: {  	s0 =	simm.s32 @!p0 $0x1  }
0x5e: {  	_ =	swait.ge @!p0 [sflag:s0], s1  }
0x5f: {  	s1 =	ssub.s32 @!p0 $0x0, s1;
	[sflag:s0] =	ssyncset.done @!p0 $0x0  }
0x60: {  	[sflag:s0] =	ssyncadd.s32 @!p0 s1  }
0x61: {  	[bflag:$0x3] =	sbarrier.arrive $0xFFFF  }
0x62: {  	_ =	shalt  }

// kernel: kernel.14.cloned.1.call-start
scs
__scs_entry_jumppad:
0x0: {  	(pc) =	sbr.rel $0x88, $3  }
0x1: {  	(tag) =	ssettag $0x0;
	lr =	simm.s32 $0x1  }
0x2: {  	[smem:$0x3F99] =	sst lr;
	_ =	strace $0xD0000000  }
0x3: {  	_ = 	snop  }
0x4: {  	_ = 	snop  }
0x5: {  	_ = 	snop  }
0x6: {  	_ = 	snop  }
0x7: {  	_ = 	snop  }
__scs_overlays_trampoline_lowered:
0x8: {  	[smem:$0x3FA8] =	sst s0  }
0x9: {  	[smem:$0x3FA9] =	sst s1  }
0xa: {  	[smem:$0x3FAA] =	sst s2  }
0xb: {  	[smem:$0x3FAB] =	sst s3  }
0xc: {  	[smem:$0x3FAC] =	sst s4  }
0xd: {  	[smem:$0x3FAD] =	sst s5  }
0xe: {  	[smem:$0x3FAE] =	sst s6  }
0xf: {  	[smem:$0x3FAF] =	sst s7  }
0x10: {  	[smem:$0x3FB0] =	sst s8  }
0x11: {  	[smem:$0x3FB1] =	sst s9;
	s0 =	simm.s32 @!p0 $0x0  }
0x12: {  	s1 =	sld [smem:$0x3F97];
	s0 =	simm.s32 @p0 $0x1  }
0x13: {  	[smem:$0x3FB2] =	sst s0;
	s0 =	simm.s32 @!p1 $0x0  }
0x14: {  	s2 =	sld [smem:$0x3F96];
	s0 =	simm.s32 @p1 $0x1  }
0x15: {  	[smem:$0x3FB3] =	sst s0;
	s0 =	simm.s32 @!p2 $0x0  }
0x16: {  	s3 =	sld [smem:$0x3FDB];
	s0 =	simm.s32 @p2 $0x1  }
0x17: {  	s4 =	simm.s32 $0x1BF5;
	[smem:$0x3FB5] =	sst s0  }
0x18: {  	s0 =	sld [smem:$0x3F98];
	_ =	swait.ge [sflag:s4], $0x0  }
0x19: {  	s7 =	sld [smem:$0x3F99]  }
0x1a: {  	s8 =	sadd.s32 $0xFFFFE003, lr  }
0x1b: {  	s9 =	sadd.s32 $0xFFFFFEF7, lr;
	s5 =	simm.s32 $0xFFFFFFFF;
	p2 =	slt.u32 s8, $0xFFFFF086  }
0x1c: {  	p1 =	slt.u32 s9, $0xF7A;
	s5 =	simm.s32 @!p2 $0x0  }
0x1d: {  	s5 =	simm.s32 @p1 $0x1;
	p0 =	seq.s32 s7, s2  }
0x1e: {  	s7 =	smul.u32 @!p0 $0xF7A, s2;
	p2 =	seq.s32 @!p0 s5, $0x0  }
0x1f: {  	s9 =	smul.u32 $0xF7A, s1;
	s8 =	simm.s32 @!p0 $0x1BF5;
	p2 =	por !p2, p0  }
0x20: {  	[sflag:s8] =	ssyncset.s32 @!p0 $0xFFFFF086;
	s6 =	sadd.s32 @!p0 s3, s7;
	s7 =	simm.s32 @!p0 $0x108  }
0x21: {  	s3 =	sadd.s32 s3, s9;
	s6 =	sadd.s32 @!p0 $0x88, s6;
	s7 =	simm.s32 @p2 $0x1082  }
0x22: {  	[simem:s7], [sflag:s8] =	dma.local @!p0 [hbm:s6], $0xF7A  }
0x23: {  	s9 =	sor.u32 $0xD0000000, s2;
	s6 =	simm.s32 $0x108;
	_ =	swait.ge @!p0 [sflag:s8], $0x0  }
0x24: {  	s3 =	sadd.s32 $0x88, s3;
	s6 =	simm.s32 @!p1 $0x1082;
	[sflag:s4] =	ssyncset.s32 $0xFFFFF086  }
0x25: {  	[simem:s6], [sflag:s4] =	dma.local [hbm:s3], $0xF7A  }
0x26: {  	[smem:$0x3F99] =	sst s1;
	(tag) =	ssettag s2;
	_ =	strace s9  }
0x27: {  	s1 =	sld [smem:$0x3FA9]  }
0x28: {  	s2 =	sld [smem:$0x3FAA]  }
0x29: {  	s4 =	sld [smem:$0x3FAC]  }
0x2a: {  	p0 =	seq.s32 s5, $0x0;
	s5 =	sld [smem:$0x3FAD]  }
0x2b: {  	s6 =	sld [smem:$0x3FAE]  }
0x2c: {  	s7 =	sld [smem:$0x3FAF]  }
0x2d: {  	s3 =	simm.s32 $0x108;
	s8 =	sld [smem:$0x3FB0]  }
0x2e: {  	s3 =	simm.s32 @!p0 $0x1082;
	s9 =	sld [smem:$0x3FB1]  }
0x2f: {  	lr =	sadd.s32 s0, s3;
	s0 =	sld [smem:$0x3FA8]  }
0x30: {  	s3 =	sld [smem:$0x3FAB]  }
0x31: {  	[smem:$0x3FB4] =	sst s10  }
0x32: {  	s10 =	sld [smem:$0x3FB2];
	_ =	sdelay $0x3  }
0x33: {  	p0 =	seq.s32 s10, $0x1;
	s10 =	sld [smem:$0x3FB4];
	_ =	sdelay $0x3  }
0x34: {  	[smem:$0x3FB4] =	sst s10  }
0x35: {  	s10 =	sld [smem:$0x3FB3];
	_ =	sdelay $0x3  }
0x36: {  	p1 =	seq.s32 s10, $0x1;
	s10 =	sld [smem:$0x3FB4];
	_ =	sdelay $0x3  }
0x37: {  	[smem:$0x3FB4] =	sst s10  }
0x38: {  	s10 =	sld [smem:$0x3FB5]  }
0x39: {  	_ = 	snop;
	(pc) =	sbr.ind lr, $3  }
0x3a: {  	_ = 	snop  }
0x3b: {  	_ = 	snop  }
0x3c: {  	p2 =	seq.s32 s10, $0x1;
	s10 =	sld [smem:$0x3FB4]  }
0x3d: {  	_ =	shalt  }
0x3e: {  	_ =	shalt  }
0x3f: {  	_ =	shalt  }
0x40: {  	_ =	shalt  }
0x41: {  	_ =	shalt  }
0x42: {  	_ =	shalt  }
0x43: {  	_ =	shalt  }
0x44: {  	_ =	shalt  }
0x45: {  	_ =	shalt  }
0x46: {  	_ =	shalt  }
0x47: {  	_ =	shalt  }
0x48: {  	_ =	shalt  }
0x49: {  	_ =	shalt  }
0x4a: {  	_ =	shalt  }
0x4b: {  	_ =	shalt  }
0x4c: {  	_ =	shalt  }
0x4d: {  	_ =	shalt  }
0x4e: {  	_ =	shalt  }
0x4f: {  	_ =	shalt  }
0x50: {  	_ =	shalt  }
0x51: {  	_ =	shalt  }
0x52: {  	_ =	shalt  }
0x53: {  	_ =	shalt  }
0x54: {  	_ =	shalt  }
0x55: {  	_ =	shalt  }
0x56: {  	_ =	shalt  }
0x57: {  	_ =	shalt  }
0x58: {  	_ =	shalt  }
0x59: {  	_ =	shalt  }
0x5a: {  	_ =	shalt  }
0x5b: {  	_ =	shalt  }
0x5c: {  	_ =	shalt  }
0x5d: {  	_ =	shalt  }
0x5e: {  	_ =	shalt  }
0x5f: {  	_ =	shalt  }
0x60: {  	_ =	shalt  }
0x61: {  	_ =	shalt  }
0x62: {  	_ =	shalt  }
0x63: {  	_ =	shalt  }
0x64: {  	_ =	shalt  }
0x65: {  	_ =	shalt  }
0x66: {  	_ =	shalt  }
0x67: {  	_ =	shalt  }
0x68: {  	_ =	shalt  }
0x69: {  	_ =	shalt  }
0x6a: {  	_ =	shalt  }
0x6b: {  	_ =	shalt  }
0x6c: {  	_ =	shalt  }
0x6d: {  	_ =	shalt  }
0x6e: {  	_ =	shalt  }
0x6f: {  	_ =	shalt  }
0x70: {  	_ =	shalt  }
0x71: {  	_ =	shalt  }
0x72: {  	_ =	shalt  }
0x73: {  	_ =	shalt  }
0x74: {  	_ =	shalt  }
0x75: {  	_ =	shalt  }
0x76: {  	_ =	shalt  }
0x77: {  	_ =	shalt  }
0x78: {  	_ =	shalt  }
0x79: {  	_ =	shalt  }
0x7a: {  	_ =	shalt  }
0x7b: {  	_ =	shalt  }
0x7c: {  	_ =	shalt  }
0x7d: {  	_ =	shalt  }
0x7e: {  	_ =	shalt  }
0x7f: {  	_ =	shalt  }
0x80: {  	_ =	shalt  }
0x81: {  	_ =	shalt  }
0x82: {  	_ =	shalt  }
0x83: {  	_ =	shalt  }
0x84: {  	_ =	shalt  }
0x85: {  	_ =	shalt  }
0x86: {  	_ =	shalt  }
0x87: {  	_ =	shalt  }
.Lfunc_end0:
.L_simem_size_0:
called_computation.2_lowered:
.L_overlay_start_0:
0x88: {  	s2 =	sld [smem:$0x3FD9]  }
0x89: {  	s3 =	sld [smem:$0x3FFE];
	_ =	sdelay $0x1  }
0x8a: {  	s1 =	srdreg.scid  }
0x8b: {  	s0 =	sand.u32 $0x1, s1  }
0x8c: {  	s14 =	sshll.u32 s0, $0xA;
	s2 =	sadd.s32 s3, s2  }
0x8d: {  	s2 =	sadd.s32 s2, s14  }
0x8e: {  	[smem:$0x3FC0] =	sst s2  }
0x8f: {  	_ = 	snop  }
0x90: {  	s2 =	sld [smem:$0x3FD0];
	_ =	sdelay $0x2  }
0x91: {  	s15 =	simm.s32 $0xA;
	s4 =	simm.s32 $0x10  }
0x92: {  	[smem:s4], [sflag:s15] =	dma.local [hbm:s2], $0x1  }
0x93: {  	_ =	swait.eq [sflag:s15], $0x1  }
0x94: {  	[sflag:s15] =	ssyncset.done $0x0  }
0x95: {  	s16 =	sld [smem:$0x10];
	[sflag:s15] =	ssyncadd.s32 $0xFFFFFFFF  }
0x96: {  	s17 =	sld [smem:$0x11];
	(tm) =	ssettm $0x1  }
0x97: {  	s18 =	sld [smem:$0x3FFB];
	_ =	sdelay $0x3  }
0x98: {  	_ =	strace s18  }
0x99: {  	s4 =	sld [smem:$0x3FFC];
	_ =	sdelay $0x3  }
0x9a: {  	_ =	strace s4  }
0x9b: {  	s4 =	sld [smem:$0x3FFD];
	_ =	sdelay $0x3  }
0x9c: {  	_ =	strace s4  }
0x9d: {  	_ =	strace $0x8FFFFFFF  }
0x9e: {  	s19 =	sld [smem:$0x3FDB];
	_ =	sdelay $0x1  }
0x9f: {  	s5 =	simm.s32 $_scs_section_size  }
0xa0: {  	s6 =	simm.s32 $_size__tile_overlayer_lowered;
	s7 =	simm.s32 $_tile_overlayer_lowered  }
0xa1: {  	s22 =	simm.s32 $0x1BFF;
	s21 =	sshll.u32 s7, $0x1;
	s4 =	sadd.s32 s5, s19  }
0xa2: {  	s8 =	simm.s32 $0x0;
	s20 =	sshll.u32 s6, $0x1;
	s6 =	sadd.s32 s21, s4  }
0xa3: {  	[timem:s8], [sflag:s22] =	dma.local [hbm:s6], s20  }
0xa4: {  	_ =	swait.ge [sflag:s22], s20  }
0xa5: {  	s5 =	ssub.s32 $0x0, s20;
	[sflag:s22] =	ssyncset.done $0x0  }
0xa6: {  	[sflag:s22] =	ssyncadd.s32 s5;
	_ =	sdelay $0x1  }
0xa7: {  	s23 =	simm.s32 $0x1B8B  }
0xa8: {  	_ =	swait.ge [sflag:s23], $0x1  }
0xa9: {  	[sflag:s23] =	ssyncset.done $0x0  }
0xaa: {  	s25 =	simm.s32 $0x1B8E;
	s24 =	sld [smem:$0x3FFE];
	[sflag:s23] =	ssyncadd.s32 $0xFFFFFFFF  }
0xab: {  	s26 =	simm.s32 $execute0_lowered;
	[smem:$0x3FD2] =	sst s25  }
0xac: {  	s6 =	sshll.u32 s26, $0x1;
	_ =	strace $0x8000004C;
	[dreg:$0x1] =	wrdreg $0xFFFFFFFF  }
0xad: {  	s28 =	simm.s32 $_size_execute0_lowered;
	s4 =	sadd.s32 s4, s6;
	[dreg:$0x0] =	wrdreg $0x0  }
0xae: {  	s6 =	sshll.u32 s28, $0x1;
	[dreg:$0x2] =	wrdreg s4  }
0xaf: {  	[dreg:$0x3] =	wrdreg s6  }
0xb0: {  	[dreg:$0x4] =	wrdreg $0xC0  }
0xb1: {  	_ =	task [dreg:s8], $0x5FFFF  }
0xb2: {  	[dreg:$0x1] =	wrdreg $0xFFFFFFFF  }
0xb3: {  	[dreg:$0x0] =	wrdreg $0x60  }
0xb4: {  	[dreg:$0x2] =	wrdreg s24  }
0xb5: {  	[dreg:$0x3] =	wrdreg s17  }
0xb6: {  	[dreg:$0x4] =	wrdreg s16  }
0xb7: {  	[dreg:$0x5] =	wrdreg $0x37A00  }
0xb8: {  	[dreg:$0x6] =	wrdreg $0x9  }
0xb9: {  	_ =	task.clear_ibuf [dreg:s8], $0x7FFFF;
	_ =	strace $0x9000004C  }
0xba: {  	s29 =	simm.s32 $0x9;
	_ =	strace $0x8000004E  }
0xbb: {  	_ =	swait.ge [sflag:s29], $0x1  }
0xbc: {  	[sflag:s29] =	ssyncadd.s32 $0xFFFFFFFF  }
0xbd: {  	_ =	strace $0x9000004E  }
0xbe: {  	_ =	sfence  }
0xbf: {  	s30 =	sld [smem:$0x0];
	_ =	sdelay $0x2  }
0xc0: {  	s31 =	sshll.u32 s1, $0xD;
	s1 =	sshrl.u32 s1, $0x2  }
0xc1: {  	s3 =	sand.u32 $0x4000, s31;
	s1 =	sadd.s32 s1, s30  }
0xc2: {  	s0 =	sor.u32 s3, s0;
	s1 =	sshll.u32 s1, $0x11  }
0xc3: {  	s0 =	sor.u32 s1, s0  }
0xc4: {  	s0 =	sadd.s32 $0x8F2B, s0  }
0xc5: {  	[sflag:s0] =	ssyncadd.remote.s32 $0x1  }
0xc6: {  	_ =	sfence.sel $0xFFFF  }
0xc7: {  	[dreg:$0x0] =	wrdreg $0xFFFFFFFF;
	(pc) =	sbr.abs _section_cstart, $3  }
0xc8: {  	[dreg:$0x1] =	wrdreg $0xFFFFFFFF  }
0xc9: {  	_ =	task.clear_ibuf [dreg:s8], $0x2FFFF;
	_ =	strace $0x9FFFFFFF  }
0xca: {  	(tm) =	ssettm $0x7FFFFFFF  }
0xcb: {  	_ =	shalt  }
tec
execute0_lowered:
.L_overlay_start_1:
0x0: {  	(tag) =	ssettag $0x1  }
0x1: {  	s7 =	rddreg [dreg:$0x0]  }
0x2: {  	s1 =	rddreg [dreg:$0x1]  }
0x3: {  	s3 =	rddreg [dreg:$0x2]  }
0x4: {  	s4 =	rddreg [dreg:$0x3]  }
0x5: {  	s0 =	rddreg [dreg:$0x4]  }
0x6: {  	s2 =	stileid.u32;
	s6 =	srdreg.scid  }
0x7: {  	s5 =	simm.s32 $0x0;
	s8 =	smul.u32 $0x13C00, s2;
	s9 =	sand.u32 $0x1, s6  }
0x8: {  	s15 =	simm.s32 $0xFA0;
	[smem:$0x7FF] =	sst s5;
	s10 =	smul.u32 $0x27800, s9  }
0x9: {  	s6 =	sadd.s32 $0x50A00, s7;
	s31 =	sshll.u32 s2, $0x6;
	s14 =	smul.u32 $0x2710, s9  }
0xa: {  	_ =	strace $0x8000004D;
	s11 =	ssub.s32 $0x2, s9;
	s9 =	smul.u32 $0xFA, s2  }
0xb: {  	s16 =	sshrl.u32 s8, $0x3;
	s30 =	sshrl.u32 s11, $0x1;
	s13 =	sadd.s32 s8, s4  }
0xc: {  	s8 =	sor.u32 $0x1C01, s31;
	s12 =	sadd.s32 s16, s7;
	s10 =	sadd.s32 s10, s7  }
0xd: {  	s11 =	ssub.s32 s11, s30;
	v0 =	vmov s14;
	s14 =	simm.s32 $0x50;
	s7 =	sadd.s32 $0x9EC00, s12  }
0xe: {  	s17 =	sadd.s32 $0xC6400, s10;
	s10 =	smax.u32 s11, $0x1;
	s11 =	sshrl.u32 s13, $0x3  }
0xf: {  	s12 =	simm.s32 $0x1;
	s13 =	simm.s32 $0x7D0;
	s16 =	sadd.s32 s16, s17  }
.LBB2_1:
0x10: {  	[spmem:s11], [sflag:s8] =	dma.local [hbm:s7], $0x2780  }
0x11: {  	_ =	swait.ge [sflag:s12], $0x2780  }
0x12: {  	[sflag:s12] =	ssyncset.done $0x0  }
0x13: {  	[sflag:s12] =	ssyncadd.s32 $0xFFFFD880  }
0x14: {  	s17 =	simm.s32 $0x0;
	[bflag:$0x0] =	sbarrier.arrive $0xFFFF  }
.LBB2_2:
0x15: {  	s18 =	smul.u32 $0x19, s17;
	_ =	sdelay $0x1  }
0x16: {  	s18 =	sadd.s32 s9, s18  }
0x17: {  	s18 =	smul.u32 $0xA, s18;
	_ =	sdelay $0x1  }
0x18: {  	s20 =	simm.s32 $0x0;
	s19 =	sadd.s32 s1, s18  }
0x19: {  	[tilespmem:s20], [sflag:$0x1] =	stream.linear.gather [hbm4b:s19+s20], $0x7D0, $0x38;
	[tilespmem:$0x173A0] =	vst v63  }
0x1a: {  	_ =	swait.ge [sflag:s12], $0x7D0  }
0x1b: {  	[sflag:s12] =	ssyncset.done $0x0  }
0x1c: {  	s18 =	sadd.s32 s3, s18;
	[sflag:s12] =	ssyncadd.s32 $0xFFFFF830  }
0x1d: {  	[tilespmem:s13], [sflag:$0x1] =	stream.linear.gather [hbm4b:s18+s20], $0x7D0, $0x38;
	[tilespmem:$0x173A0] =	vst v63  }
0x1e: {  	_ =	swait.ge [sflag:s12], $0x7D0  }
0x1f: {  	[sflag:s12] =	ssyncset.done $0x0  }
0x20: {  	s18 =	simm.s32 $0x0;
	[sflag:s12] =	ssyncadd.s32 $0xFFFFF830  }
0x21: {  	v4 =	vld [tilespmem:s18+$0x0]  }
0x22: {  	v3 =	vld [tilespmem:s18+$0x10]  }
0x23: {  	v2 =	vld [tilespmem:s18+$0x20]  }
0x24: {  	s19 =	simm.s32 $0x140;
	v1 =	vld [tilespmem:s18+$0x30]  }
.LBB2_3:
0x25: {  	p0 =	sne.s32 s19, $0x1E00;
	v5 =	vld [tilespmem:s18+$0x40]  }
0x26: {  	v4 =	vadd.s32 v0, v4  }
.Ltmp0:
0x27: {  	s20 =	sshra.s32 s19, $0x2;
	[tilespmem:s18+$0x0] =	vst v4;
	v3 =	vadd.s32 v0, v3;
	(pc) =	sbr.rel @p0 .LBB2_3-.Ltmp0, $4  }
0x28: {  	v4 =	vld [tilespmem:s20+$0x0];
	[tilespmem:s18+$0x10] =	vst v3;
	v2 =	vadd.s32 v0, v2  }
0x29: {  	v3 =	vld [tilespmem:s20+$0x10];
	[tilespmem:s18+$0x20] =	vst v2;
	v1 =	vadd.s32 v0, v1  }
0x2a: {  	v2 =	vld [tilespmem:s20+$0x20];
	[tilespmem:s18+$0x30] =	vst v1;
	v5 =	vadd.s32 v0, v5  }
0x2b: {  	s19 =	sadd.s32 $0x140, s19;
	v1 =	vld [tilespmem:s20+$0x30];
	[tilespmem:s18+$0x40] =	vst v5;
	s18 =	smov.u32 s20  }
0x2c: {  	v5 =	vld [tilespmem:s18+$0x40]  }
0x2d: {  	v4 =	vadd.s32 v0, v4  }
0x2e: {  	[tilespmem:s18+$0x0] =	vst v4;
	v3 =	vadd.s32 v0, v3  }
0x2f: {  	[tilespmem:s18+$0x10] =	vst v3;
	v2 =	vadd.s32 v0, v2  }
0x30: {  	[tilespmem:s18+$0x20] =	vst v2;
	v1 =	vadd.s32 v0, v1  }
0x31: {  	[tilespmem:s18+$0x30] =	vst v1;
	v1 =	vadd.s32 v0, v5  }
0x32: {  	s30 =	simm.s32 $0x0;
	[tilespmem:s18+$0x40] =	vst v1  }
0x33: {  	[tilespmem:s15], [sflag:$0x1] =	stream.indirect.gather [hbm4b:s6+s14], $0x80, s30, s14, $0xb8;
	[tilespmem:$0x173A0] =	vst v63  }
0x34: {  	_ =	swait.ge [sflag:s12], $0x2800  }
0x35: {  	[sflag:s12] =	ssyncset.done $0x0  }
0x36: {  	s31 =	simm.s32 $0x7D0;
	[sflag:s12] =	ssyncadd.s32 $0xFFFFD800  }
0x37: {  	[spmem:s4] =	stream.indirect.scatter.add.f32 [tilespmem:s15], [sflag:$0x1], $0x80, s31, s14, $0xb8;
	[tilespmem:$0x173A0] =	vst v63  }
0x38: {  	_ =	swait.ge [sflag:s12], $0x2800  }
0x39: {  	s19 =	simm.s32 $0x280;
	s18 =	simm.s32 $0x140;
	[sflag:s12] =	ssyncset.done $0x0  }
.LBB2_5:
0x3a: {  	s20 =	sshra.s32 s18, $0x2  }
0x3b: {  	[sflag:s12] =	ssyncadd.s32 $0xFFFFD800;
	s18 =	smov.u32 s19;
	s21 =	sadd.s32 $0x140, s19  }
0x3c: {  	[tilespmem:s15], [sflag:$0x1] =	stream.indirect.gather [hbm4b:s6+s14], $0x80, s20, s14, $0xb8;
	[tilespmem:$0x173A0] =	vst v63  }
0x3d: {  	p0 =	sne.s32 s19, $0x1E00;
	_ =	swait.ge [sflag:s12], $0x2800  }
.Ltmp1:
0x3e: {  	[sflag:s12] =	ssyncset.done $0x0;
	(pc) =	sbr.rel @p0 .LBB2_5-.Ltmp1, $4  }
0x3f: {  	s19 =	sadd.s32 $0x7D0, s20;
	[sflag:s12] =	ssyncadd.s32 $0xFFFFD800  }
0x40: {  	[spmem:s4] =	stream.indirect.scatter.add.f32 [tilespmem:s15], [sflag:$0x1], $0x80, s19, s14, $0xb8;
	[tilespmem:$0x173A0] =	vst v63  }
0x41: {  	_ =	swait.ge [sflag:s12], $0x2800  }
0x42: {  	s19 =	smov.u32 s21;
	[sflag:s12] =	ssyncset.done $0x0  }
0x43: {  	s18 =	sshra.s32 s18, $0x2;
	[sflag:s12] =	ssyncadd.s32 $0xFFFFD800  }
0x44: {  	[tilespmem:s15], [sflag:$0x1] =	stream.indirect.gather [hbm4b:s6+s14], $0x80, s18, s14, $0xb8;
	[tilespmem:$0x173A0] =	vst v63  }
0x45: {  	s17 =	sadd.s32 $0x1, s17;
	_ =	swait.ge [sflag:s12], $0x2800  }
0x46: {  	p0 =	sne.s32 s17, $0xA;
	[sflag:s12] =	ssyncset.done $0x0  }
.Ltmp2:
0x47: {  	s18 =	sadd.s32 $0x7D0, s18;
	[sflag:s12] =	ssyncadd.s32 $0xFFFFD800;
	(pc) =	sbr.rel @p0 .LBB2_2-.Ltmp2, $4  }
0x48: {  	[spmem:s4] =	stream.indirect.scatter.add.f32 [tilespmem:s15], [sflag:$0x1], $0x80, s18, s14, $0xb8;
	[tilespmem:$0x173A0] =	vst v63  }
0x49: {  	_ =	swait.ge [sflag:s12], $0x2800  }
0x4a: {  	[sflag:s12] =	ssyncset.done $0x0  }
0x4b: {  	[sflag:s12] =	ssyncadd.s32 $0xFFFFD800  }
0x4c: {  	s5 =	sadd.s32 $0x1, s5  }
0x4d: {  	p0 =	sne.s32 s5, s10  }
.Ltmp3:
0x4e: {  	[bflag:$0x0] =	sbarrier.arrive $0xFFFF;
	(pc) =	sbr.rel @p0 .LBB2_1-.Ltmp3, $4  }
0x4f: {  	[hbm:s16], [sflag:s8] =	dma.local [spmem:s11], $0x2780  }
0x50: {  	_ =	swait.ge [sflag:s12], $0x2780  }
0x51: {  	[sflag:s12] =	ssyncset.done $0x0  }
0x52: {  	[sflag:s12] =	ssyncadd.s32 $0xFFFFD880  }
0x53: {  	_ =	sfence.sel $0x180000  }
0x54: {  	[bflag:$0x0] =	sbarrier.arrive $0xFFFF  }
0x55: {  	p0 =	sne.s32 s2, $0x0;
	_ =	strace $0x9000004D  }
0x56: {  	s0 =	sadd.s32 @!p0 $0x100000, s0;
	[bflag:$0x2] =	sbarrier.arrive $0xFFFF  }
0x57: {  	[sflag:s0] =	ssyncadd.tile.s32 @!p0 $0x1;
	_ =	shalt  }
.Lfunc_end2:
_tile_overlayer_lowered:
.L_overlay_start_2:
0x58: {  	(tag) =	ssettag $0x2  }
0x59: {  	s0 =	rddreg [dreg:$0x0];
	s2 =	stileid.u32  }
0x5a: {  	s1 =	rddreg [dreg:$0x1];
	p0 =	sne.s32 s2, $0x0  }
0x5b: {  	s3 =	rddreg [dreg:$0x2];
	[bflag:$0x3] =	sbarrier.arrive $0xFFFF;
	s2 =	simm.s32 @!p0 $0x1C01  }
0x5c: {  	[timem:s3], [sflag:s2] =	dma.local @!p0 [hbm:s0], s1  }
0x5d: {  	s0 =	simm.s32 @!p0 $0x1  }
0x5e: {  	_ =	swait.ge @!p0 [sflag:s0], s1  }
0x5f: {  	s1 =	ssub.s32 @!p0 $0x0, s1;
	[sflag:s0] =	ssyncset.done @!p0 $0x0  }
0x60: {  	[sflag:s0] =	ssyncadd.s32 @!p0 s1  }
0x61: {  	[bflag:$0x3] =	sbarrier.arrive $0xFFFF  }
0x62: {  	_ =	shalt  }

// kernel: kernel.8.cloned.1.call-start
scs
__scs_entry_jumppad:
0x0: {  	(pc) =	sbr.rel $0x88, $3  }
0x1: {  	(tag) =	ssettag $0x0;
	lr =	simm.s32 $0x1  }
0x2: {  	[smem:$0x3F99] =	sst lr;
	_ =	strace $0xD0000000  }
0x3: {  	_ = 	snop  }
0x4: {  	_ = 	snop  }
0x5: {  	_ = 	snop  }
0x6: {  	_ = 	snop  }
0x7: {  	_ = 	snop  }
__scs_overlays_trampoline_lowered:
0x8: {  	[smem:$0x3FA8] =	sst s0  }
0x9: {  	[smem:$0x3FA9] =	sst s1  }
0xa: {  	[smem:$0x3FAA] =	sst s2  }
0xb: {  	[smem:$0x3FAB] =	sst s3  }
0xc: {  	[smem:$0x3FAC] =	sst s4  }
0xd: {  	[smem:$0x3FAD] =	sst s5  }
0xe: {  	[smem:$0x3FAE] =	sst s6  }
0xf: {  	[smem:$0x3FAF] =	sst s7  }
0x10: {  	[smem:$0x3FB0] =	sst s8  }
0x11: {  	[smem:$0x3FB1] =	sst s9;
	s0 =	simm.s32 @!p0 $0x0  }
0x12: {  	s1 =	sld [smem:$0x3F97];
	s0 =	simm.s32 @p0 $0x1  }
0x13: {  	[smem:$0x3FB2] =	sst s0;
	s0 =	simm.s32 @!p1 $0x0  }
0x14: {  	s2 =	sld [smem:$0x3F96];
	s0 =	simm.s32 @p1 $0x1  }
0x15: {  	[smem:$0x3FB3] =	sst s0;
	s0 =	simm.s32 @!p2 $0x0  }
0x16: {  	s3 =	sld [smem:$0x3FDB];
	s0 =	simm.s32 @p2 $0x1  }
0x17: {  	s4 =	simm.s32 $0x1BF5;
	[smem:$0x3FB5] =	sst s0  }
0x18: {  	s0 =	sld [smem:$0x3F98];
	_ =	swait.ge [sflag:s4], $0x0  }
0x19: {  	s7 =	sld [smem:$0x3F99]  }
0x1a: {  	s8 =	sadd.s32 $0xFFFFE003, lr  }
0x1b: {  	s9 =	sadd.s32 $0xFFFFFEF7, lr;
	s5 =	simm.s32 $0xFFFFFFFF;
	p2 =	slt.u32 s8, $0xFFFFF086  }
0x1c: {  	p1 =	slt.u32 s9, $0xF7A;
	s5 =	simm.s32 @!p2 $0x0  }
0x1d: {  	s5 =	simm.s32 @p1 $0x1;
	p0 =	seq.s32 s7, s2  }
0x1e: {  	s7 =	smul.u32 @!p0 $0xF7A, s2;
	p2 =	seq.s32 @!p0 s5, $0x0  }
0x1f: {  	s9 =	smul.u32 $0xF7A, s1;
	s8 =	simm.s32 @!p0 $0x1BF5;
	p2 =	por !p2, p0  }
0x20: {  	[sflag:s8] =	ssyncset.s32 @!p0 $0xFFFFF086;
	s6 =	sadd.s32 @!p0 s3, s7;
	s7 =	simm.s32 @!p0 $0x108  }
0x21: {  	s3 =	sadd.s32 s3, s9;
	s6 =	sadd.s32 @!p0 $0x88, s6;
	s7 =	simm.s32 @p2 $0x1082  }
0x22: {  	[simem:s7], [sflag:s8] =	dma.local @!p0 [hbm:s6], $0xF7A  }
0x23: {  	s9 =	sor.u32 $0xD0000000, s2;
	s6 =	simm.s32 $0x108;
	_ =	swait.ge @!p0 [sflag:s8], $0x0  }
0x24: {  	s3 =	sadd.s32 $0x88, s3;
	s6 =	simm.s32 @!p1 $0x1082;
	[sflag:s4] =	ssyncset.s32 $0xFFFFF086  }
0x25: {  	[simem:s6], [sflag:s4] =	dma.local [hbm:s3], $0xF7A  }
0x26: {  	[smem:$0x3F99] =	sst s1;
	(tag) =	ssettag s2;
	_ =	strace s9  }
0x27: {  	s1 =	sld [smem:$0x3FA9]  }
0x28: {  	s2 =	sld [smem:$0x3FAA]  }
0x29: {  	s4 =	sld [smem:$0x3FAC]  }
0x2a: {  	p0 =	seq.s32 s5, $0x0;
	s5 =	sld [smem:$0x3FAD]  }
0x2b: {  	s6 =	sld [smem:$0x3FAE]  }
0x2c: {  	s7 =	sld [smem:$0x3FAF]  }
0x2d: {  	s3 =	simm.s32 $0x108;
	s8 =	sld [smem:$0x3FB0]  }
0x2e: {  	s3 =	simm.s32 @!p0 $0x1082;
	s9 =	sld [smem:$0x3FB1]  }
0x2f: {  	lr =	sadd.s32 s0, s3;
	s0 =	sld [smem:$0x3FA8]  }
0x30: {  	s3 =	sld [smem:$0x3FAB]  }
0x31: {  	[smem:$0x3FB4] =	sst s10  }
0x32: {  	s10 =	sld [smem:$0x3FB2];
	_ =	sdelay $0x3  }
0x33: {  	p0 =	seq.s32 s10, $0x1;
	s10 =	sld [smem:$0x3FB4];
	_ =	sdelay $0x3  }
0x34: {  	[smem:$0x3FB4] =	sst s10  }
0x35: {  	s10 =	sld [smem:$0x3FB3];
	_ =	sdelay $0x3  }
0x36: {  	p1 =	seq.s32 s10, $0x1;
	s10 =	sld [smem:$0x3FB4];
	_ =	sdelay $0x3  }
0x37: {  	[smem:$0x3FB4] =	sst s10  }
0x38: {  	s10 =	sld [smem:$0x3FB5]  }
0x39: {  	_ = 	snop;
	(pc) =	sbr.ind lr, $3  }
0x3a: {  	_ = 	snop  }
0x3b: {  	_ = 	snop  }
0x3c: {  	p2 =	seq.s32 s10, $0x1;
	s10 =	sld [smem:$0x3FB4]  }
0x3d: {  	_ =	shalt  }
0x3e: {  	_ =	shalt  }
0x3f: {  	_ =	shalt  }
0x40: {  	_ =	shalt  }
0x41: {  	_ =	shalt  }
0x42: {  	_ =	shalt  }
0x43: {  	_ =	shalt  }
0x44: {  	_ =	shalt  }
0x45: {  	_ =	shalt  }
0x46: {  	_ =	shalt  }
0x47: {  	_ =	shalt  }
0x48: {  	_ =	shalt  }
0x49: {  	_ =	shalt  }
0x4a: {  	_ =	shalt  }
0x4b: {  	_ =	shalt  }
0x4c: {  	_ =	shalt  }
0x4d: {  	_ =	shalt  }
0x4e: {  	_ =	shalt  }
0x4f: {  	_ =	shalt  }
0x50: {  	_ =	shalt  }
0x51: {  	_ =	shalt  }
0x52: {  	_ =	shalt  }
0x53: {  	_ =	shalt  }
0x54: {  	_ =	shalt  }
0x55: {  	_ =	shalt  }
0x56: {  	_ =	shalt  }
0x57: {  	_ =	shalt  }
0x58: {  	_ =	shalt  }
0x59: {  	_ =	shalt  }
0x5a: {  	_ =	shalt  }
0x5b: {  	_ =	shalt  }
0x5c: {  	_ =	shalt  }
0x5d: {  	_ =	shalt  }
0x5e: {  	_ =	shalt  }
0x5f: {  	_ =	shalt  }
0x60: {  	_ =	shalt  }
0x61: {  	_ =	shalt  }
0x62: {  	_ =	shalt  }
0x63: {  	_ =	shalt  }
0x64: {  	_ =	shalt  }
0x65: {  	_ =	shalt  }
0x66: {  	_ =	shalt  }
0x67: {  	_ =	shalt  }
0x68: {  	_ =	shalt  }
0x69: {  	_ =	shalt  }
0x6a: {  	_ =	shalt  }
0x6b: {  	_ =	shalt  }
0x6c: {  	_ =	shalt  }
0x6d: {  	_ =	shalt  }
0x6e: {  	_ =	shalt  }
0x6f: {  	_ =	shalt  }
0x70: {  	_ =	shalt  }
0x71: {  	_ =	shalt  }
0x72: {  	_ =	shalt  }
0x73: {  	_ =	shalt  }
0x74: {  	_ =	shalt  }
0x75: {  	_ =	shalt  }
0x76: {  	_ =	shalt  }
0x77: {  	_ =	shalt  }
0x78: {  	_ =	shalt  }
0x79: {  	_ =	shalt  }
0x7a: {  	_ =	shalt  }
0x7b: {  	_ =	shalt  }
0x7c: {  	_ =	shalt  }
0x7d: {  	_ =	shalt  }
0x7e: {  	_ =	shalt  }
0x7f: {  	_ =	shalt  }
0x80: {  	_ =	shalt  }
0x81: {  	_ =	shalt  }
0x82: {  	_ =	shalt  }
0x83: {  	_ =	shalt  }
0x84: {  	_ =	shalt  }
0x85: {  	_ =	shalt  }
0x86: {  	_ =	shalt  }
0x87: {  	_ =	shalt  }
.Lfunc_end0:
.L_simem_size_0:
called_computation_lowered:
.L_overlay_start_0:
0x88: {  	s2 =	sld [smem:$0x3FD9]  }
0x89: {  	s3 =	sld [smem:$0x3FFE];
	_ =	sdelay $0x1  }
0x8a: {  	s1 =	srdreg.scid  }
0x8b: {  	s0 =	sand.u32 $0x1, s1  }
0x8c: {  	s14 =	sshll.u32 s0, $0xA;
	s2 =	sadd.s32 s3, s2  }
0x8d: {  	s2 =	sadd.s32 s2, s14  }
0x8e: {  	[smem:$0x3FC0] =	sst s2  }
0x8f: {  	_ = 	snop  }
0x90: {  	s2 =	sld [smem:$0x3FD0];
	_ =	sdelay $0x2  }
0x91: {  	s15 =	simm.s32 $0xA;
	s4 =	simm.s32 $0x10  }
0x92: {  	[smem:s4], [sflag:s15] =	dma.local [hbm:s2], $0x1  }
0x93: {  	_ =	swait.eq [sflag:s15], $0x1  }
0x94: {  	[sflag:s15] =	ssyncset.done $0x0  }
0x95: {  	[sflag:s15] =	ssyncadd.s32 $0xFFFFFFFF  }
0x96: {  	s16 =	sld [smem:$0x10];
	(tm) =	ssettm $0x1  }
0x97: {  	s17 =	sld [smem:$0x3FFB];
	_ =	sdelay $0x3  }
0x98: {  	_ =	strace s17  }
0x99: {  	s3 =	sld [smem:$0x3FFC];
	_ =	sdelay $0x3  }
0x9a: {  	_ =	strace s3  }
0x9b: {  	s3 =	sld [smem:$0x3FFD];
	_ =	sdelay $0x3  }
0x9c: {  	_ =	strace s3  }
0x9d: {  	_ =	strace $0x8FFFFFFF  }
0x9e: {  	s18 =	sld [smem:$0x3FDB];
	_ =	sdelay $0x1  }
0x9f: {  	s19 =	simm.s32 $_scs_section_size  }
0xa0: {  	s5 =	simm.s32 $_size__tile_overlayer_lowered;
	s6 =	simm.s32 $_tile_overlayer_lowered  }
0xa1: {  	s22 =	simm.s32 $0x1BFF;
	s21 =	sshll.u32 s6, $0x1;
	s3 =	sadd.s32 s19, s18  }
0xa2: {  	s7 =	simm.s32 $0x0;
	s20 =	sshll.u32 s5, $0x1;
	s5 =	sadd.s32 s21, s3  }
0xa3: {  	[timem:s7], [sflag:s22] =	dma.local [hbm:s5], s20  }
0xa4: {  	_ =	swait.ge [sflag:s22], s20  }
0xa5: {  	s4 =	ssub.s32 $0x0, s20;
	[sflag:s22] =	ssyncset.done $0x0  }
0xa6: {  	[sflag:s22] =	ssyncadd.s32 s4;
	_ =	sdelay $0x1  }
0xa7: {  	s23 =	simm.s32 $0x1B8B  }
0xa8: {  	_ =	swait.ge [sflag:s23], $0x1  }
0xa9: {  	[sflag:s23] =	ssyncset.done $0x0  }
0xaa: {  	s25 =	simm.s32 $0x1B8E;
	s24 =	sld [smem:$0x3FFE];
	[sflag:s23] =	ssyncadd.s32 $0xFFFFFFFF  }
0xab: {  	s26 =	simm.s32 $execute0_lowered;
	[smem:$0x3FD2] =	sst s25  }
0xac: {  	s5 =	sshll.u32 s26, $0x1;
	_ =	strace $0x80000046;
	[dreg:$0x1] =	wrdreg $0xFFFFFFFF  }
0xad: {  	s28 =	simm.s32 $_size_execute0_lowered;
	s3 =	sadd.s32 s3, s5;
	[dreg:$0x0] =	wrdreg $0x0  }
0xae: {  	s5 =	sshll.u32 s28, $0x1;
	[dreg:$0x2] =	wrdreg s3  }
0xaf: {  	[dreg:$0x3] =	wrdreg s5  }
0xb0: {  	[dreg:$0x4] =	wrdreg $0xC0  }
0xb1: {  	_ =	task [dreg:s7], $0x5FFFF  }
0xb2: {  	[dreg:$0x1] =	wrdreg $0xFFFFFFFF  }
0xb3: {  	[dreg:$0x0] =	wrdreg $0x60  }
0xb4: {  	[dreg:$0x2] =	wrdreg s16  }
0xb5: {  	[dreg:$0x3] =	wrdreg s24  }
0xb6: {  	[dreg:$0x4] =	wrdreg $0x8200  }
0xb7: {  	[dreg:$0x5] =	wrdreg $0x9  }
0xb8: {  	_ =	task.clear_ibuf [dreg:s7], $0x6FFFF;
	_ =	strace $0x90000046  }
0xb9: {  	s29 =	simm.s32 $0x9;
	_ =	strace $0x80000048  }
0xba: {  	_ =	swait.ge [sflag:s29], $0x1  }
0xbb: {  	[sflag:s29] =	ssyncadd.s32 $0xFFFFFFFF  }
0xbc: {  	_ =	strace $0x90000048  }
0xbd: {  	_ =	sfence  }
0xbe: {  	s30 =	sld [smem:$0x0];
	_ =	sdelay $0x2  }
0xbf: {  	s31 =	sshll.u32 s1, $0xD;
	s1 =	sshrl.u32 s1, $0x2  }
0xc0: {  	s3 =	sand.u32 $0x4000, s31;
	s1 =	sadd.s32 s1, s30  }
0xc1: {  	s0 =	sor.u32 s3, s0;
	s1 =	sshll.u32 s1, $0x11  }
0xc2: {  	s0 =	sor.u32 s1, s0  }
0xc3: {  	s0 =	sadd.s32 $0x8F2B, s0  }
0xc4: {  	[sflag:s0] =	ssyncadd.remote.s32 $0x1  }
0xc5: {  	_ =	sfence.sel $0xFFFF  }
0xc6: {  	[dreg:$0x0] =	wrdreg $0xFFFFFFFF;
	(pc) =	sbr.abs _section_cstart, $3  }
0xc7: {  	[dreg:$0x1] =	wrdreg $0xFFFFFFFF  }
0xc8: {  	_ =	task.clear_ibuf [dreg:s7], $0x2FFFF;
	_ =	strace $0x9FFFFFFF  }
0xc9: {  	(tm) =	ssettm $0x7FFFFFFF  }
tec
execute0_lowered:
.L_overlay_start_1:
0x0: {  	(tag) =	ssettag $0x1  }
0x1: {  	s6 =	rddreg [dreg:$0x0]  }
0x2: {  	s4 =	rddreg [dreg:$0x1]  }
0x3: {  	s2 =	rddreg [dreg:$0x2]  }
0x4: {  	s0 =	rddreg [dreg:$0x3];
	s3 =	simm.s32 $0x0  }
0x5: {  	s1 =	stileid.u32;
	s7 =	srdreg.scid;
	s13 =	simm.s32 $0x1  }
0x6: {  	s14 =	simm.s32 $0x50;
	s15 =	simm.s32 $0x7D0;
	[smem:$0x7FF] =	sst s3  }
0x7: {  	s5 =	smul.u32 $0x278, s1;
	s7 =	sand.u32 $0x1, s7;
	s31 =	sshll.u32 s1, $0x6  }
0x8: {  	_ =	strace $0x80000047;
	s8 =	smul.u32 $0x4F0, s7;
	s9 =	sshll.u32 s7, $0x4  }
0x9: {  	s7 =	ssub.s32 $0x2, s7;
	s16 =	sshrl.u32 s5, $0x3;
	s9 =	sor.u32 s1, s9  }
0xa: {  	s30 =	sshrl.u32 s7, $0x1;
	s12 =	sadd.s32 s5, s2;
	s5 =	sor.u32 $0x1C01, s31  }
0xb: {  	s10 =	sadd.s32 s16, s4;
	s8 =	sadd.s32 s8, s4;
	s9 =	smul.u32 $0x4E2, s9  }
0xc: {  	s7 =	ssub.s32 s7, s30;
	s12 =	sshrl.u32 s12, $0x3;
	s4 =	sadd.s32 $0x2800, s10  }
0xd: {  	s17 =	sadd.s32 $0x2E00, s8;
	s7 =	smax.u32 s7, $0x1;
	s6 =	sadd.s32 s6, s9  }
0xe: {  	s16 =	sadd.s32 s16, s17;
	s17 =	simm.s32 $0x0;
	s8 =	sadd.s32 $0xFA, s6  }
0xf: {  	v0 =	vimm.f32 $1.000000000e+00;
	s9 =	sadd.s32 $0x1F4, s6;
	s10 =	sadd.s32 $0x2EE, s6;
	s11 =	sadd.s32 $0x3E8, s6  }
.LBB2_1:
0x10: {  	[spmem:s12], [sflag:s5] =	dma.local [hbm:s4], $0x4F  }
0x11: {  	_ =	swait.ge [sflag:s13], $0x4F  }
0x12: {  	[sflag:s13] =	ssyncset.done $0x0  }
0x13: {  	[sflag:s13] =	ssyncadd.s32 $0xFFFFFFB1  }
0x14: {  	[tilespmem:$0x7D0] =	vst v0  }
0x15: {  	[tilespmem:$0x7E0] =	vst v0  }
0x16: {  	[tilespmem:$0x7F0] =	vst v0  }
0x17: {  	[tilespmem:$0x800] =	vst v0  }
0x18: {  	[tilespmem:$0x810] =	vst v0  }
0x19: {  	[bflag:$0x0] =	sbarrier.arrive $0xFFFF  }
0x1a: {  	[tilespmem:s3], [sflag:$0x1] =	stream.linear.gather [hbm4b:s6+s3], $0x7D0, $0x38;
	[tilespmem:$0xA98] =	vst v63  }
0x1b: {  	_ =	swait.ge [sflag:s13], $0x7D0  }
0x1c: {  	[sflag:s13] =	ssyncset.done $0x0  }
0x1d: {  	s18 =	simm.s32 $0x0;
	[sflag:s13] =	ssyncadd.s32 $0xFFFFF830  }
0x1e: {  	[spmem:s2] =	stream.indirect.scatter.add.f32 [tilespmem:s15], [sflag:$0x1], $0x1, s18, s14, $0xb8;
	[tilespmem:$0xA98] =	vst v63  }
0x1f: {  	_ =	swait.ge [sflag:s13], $0x50  }
0x20: {  	s18 =	simm.s32 $0x140;
	[sflag:s13] =	ssyncset.done $0x0  }
.LBB2_2:
0x21: {  	s19 =	sshra.s32 s18, $0x2;
	[sflag:s13] =	ssyncadd.s32 $0xFFFFFFB0;
	p0 =	sne.s32 s18, $0x1E00  }
0x22: {  	[spmem:s2] =	stream.indirect.scatter.add.f32 [tilespmem:s15], [sflag:$0x1], $0x1, s19, s14, $0xb8;
	[tilespmem:$0xA98] =	vst v63  }
.Ltmp0:
0x23: {  	_ = 	snop;
	(pc) =	sbr.rel @p0 .LBB2_2-.Ltmp0, $4  }
0x24: {  	_ = 	snop  }
0x25: {  	s18 =	sadd.s32 $0x140, s18  }
0x26: {  	_ =	swait.ge [sflag:s13], $0x50  }
0x27: {  	[sflag:s13] =	ssyncset.done $0x0  }
0x28: {  	[sflag:s13] =	ssyncadd.s32 $0xFFFFFFB0;
	s18 =	simm.s32 $0x0  }
0x29: {  	[tilespmem:s18], [sflag:$0x1] =	stream.linear.gather [hbm4b:s8+s18], $0x7D0, $0x38;
	[tilespmem:$0xA98] =	vst v63  }
0x2a: {  	_ =	swait.ge [sflag:s13], $0x7D0  }
0x2b: {  	[sflag:s13] =	ssyncset.done $0x0  }
0x2c: {  	s31 =	simm.s32 $0x0;
	[sflag:s13] =	ssyncadd.s32 $0xFFFFF830  }
0x2d: {  	[spmem:s2] =	stream.indirect.scatter.add.f32 [tilespmem:s15], [sflag:$0x1], $0x1, s31, s14, $0xb8;
	[tilespmem:$0xA98] =	vst v63  }
0x2e: {  	_ =	swait.ge [sflag:s13], $0x50  }
0x2f: {  	s18 =	simm.s32 $0x140;
	[sflag:s13] =	ssyncset.done $0x0  }
.LBB2_4:
0x30: {  	s19 =	sshra.s32 s18, $0x2;
	[sflag:s13] =	ssyncadd.s32 $0xFFFFFFB0;
	p0 =	sne.s32 s18, $0x1E00  }
0x31: {  	[spmem:s2] =	stream.indirect.scatter.add.f32 [tilespmem:s15], [sflag:$0x1], $0x1, s19, s14, $0xb8;
	[tilespmem:$0xA98] =	vst v63  }
.Ltmp1:
0x32: {  	_ = 	snop;
	(pc) =	sbr.rel @p0 .LBB2_4-.Ltmp1, $4  }
0x33: {  	_ = 	snop  }
0x34: {  	s18 =	sadd.s32 $0x140, s18  }
0x35: {  	_ =	swait.ge [sflag:s13], $0x50  }
0x36: {  	[sflag:s13] =	ssyncset.done $0x0  }
0x37: {  	[sflag:s13] =	ssyncadd.s32 $0xFFFFFFB0;
	s18 =	simm.s32 $0x0  }
0x38: {  	[tilespmem:s18], [sflag:$0x1] =	stream.linear.gather [hbm4b:s9+s18], $0x7D0, $0x38;
	[tilespmem:$0xA98] =	vst v63  }
0x39: {  	_ =	swait.ge [sflag:s13], $0x7D0  }
0x3a: {  	[sflag:s13] =	ssyncset.done $0x0  }
0x3b: {  	s31 =	simm.s32 $0x0;
	[sflag:s13] =	ssyncadd.s32 $0xFFFFF830  }
0x3c: {  	[spmem:s2] =	stream.indirect.scatter.add.f32 [tilespmem:s15], [sflag:$0x1], $0x1, s31, s14, $0xb8;
	[tilespmem:$0xA98] =	vst v63  }
0x3d: {  	_ =	swait.ge [sflag:s13], $0x50  }
0x3e: {  	s18 =	simm.s32 $0x140;
	[sflag:s13] =	ssyncset.done $0x0  }
.LBB2_6:
0x3f: {  	s19 =	sshra.s32 s18, $0x2;
	[sflag:s13] =	ssyncadd.s32 $0xFFFFFFB0;
	p0 =	sne.s32 s18, $0x1E00  }
0x40: {  	[spmem:s2] =	stream.indirect.scatter.add.f32 [tilespmem:s15], [sflag:$0x1], $0x1, s19, s14, $0xb8;
	[tilespmem:$0xA98] =	vst v63  }
.Ltmp2:
0x41: {  	_ = 	snop;
	(pc) =	sbr.rel @p0 .LBB2_6-.Ltmp2, $4  }
0x42: {  	_ = 	snop  }
0x43: {  	s18 =	sadd.s32 $0x140, s18  }
0x44: {  	_ =	swait.ge [sflag:s13], $0x50  }
0x45: {  	[sflag:s13] =	ssyncset.done $0x0  }
0x46: {  	[sflag:s13] =	ssyncadd.s32 $0xFFFFFFB0;
	s18 =	simm.s32 $0x0  }
0x47: {  	[tilespmem:s18], [sflag:$0x1] =	stream.linear.gather [hbm4b:s10+s18], $0x7D0, $0x38;
	[tilespmem:$0xA98] =	vst v63  }
0x48: {  	_ =	swait.ge [sflag:s13], $0x7D0  }
0x49: {  	[sflag:s13] =	ssyncset.done $0x0  }
0x4a: {  	s31 =	simm.s32 $0x0;
	[sflag:s13] =	ssyncadd.s32 $0xFFFFF830  }
0x4b: {  	[spmem:s2] =	stream.indirect.scatter.add.f32 [tilespmem:s15], [sflag:$0x1], $0x1, s31, s14, $0xb8;
	[tilespmem:$0xA98] =	vst v63  }
0x4c: {  	_ =	swait.ge [sflag:s13], $0x50  }
0x4d: {  	s18 =	simm.s32 $0x140;
	[sflag:s13] =	ssyncset.done $0x0  }
.LBB2_8:
0x4e: {  	s19 =	sshra.s32 s18, $0x2;
	[sflag:s13] =	ssyncadd.s32 $0xFFFFFFB0;
	p0 =	sne.s32 s18, $0x1E00  }
0x4f: {  	[spmem:s2] =	stream.indirect.scatter.add.f32 [tilespmem:s15], [sflag:$0x1], $0x1, s19, s14, $0xb8;
	[tilespmem:$0xA98] =	vst v63  }
.Ltmp3:
0x50: {  	_ = 	snop;
	(pc) =	sbr.rel @p0 .LBB2_8-.Ltmp3, $4  }
0x51: {  	_ = 	snop  }
0x52: {  	s18 =	sadd.s32 $0x140, s18  }
0x53: {  	_ =	swait.ge [sflag:s13], $0x50  }
0x54: {  	[sflag:s13] =	ssyncset.done $0x0  }
0x55: {  	[sflag:s13] =	ssyncadd.s32 $0xFFFFFFB0;
	s18 =	simm.s32 $0x0  }
0x56: {  	[tilespmem:s18], [sflag:$0x1] =	stream.linear.gather [hbm4b:s11+s18], $0x7D0, $0x38;
	[tilespmem:$0xA98] =	vst v63  }
0x57: {  	_ =	swait.ge [sflag:s13], $0x7D0  }
0x58: {  	[sflag:s13] =	ssyncset.done $0x0  }
0x59: {  	s31 =	simm.s32 $0x0;
	[sflag:s13] =	ssyncadd.s32 $0xFFFFF830  }
0x5a: {  	[spmem:s2] =	stream.indirect.scatter.add.f32 [tilespmem:s15], [sflag:$0x1], $0x1, s31, s14, $0xb8;
	[tilespmem:$0xA98] =	vst v63  }
0x5b: {  	_ =	swait.ge [sflag:s13], $0x50  }
0x5c: {  	s18 =	simm.s32 $0x140;
	[sflag:s13] =	ssyncset.done $0x0  }
.LBB2_10:
0x5d: {  	s19 =	sshra.s32 s18, $0x2;
	[sflag:s13] =	ssyncadd.s32 $0xFFFFFFB0;
	p0 =	sne.s32 s18, $0x1E00  }
0x5e: {  	[spmem:s2] =	stream.indirect.scatter.add.f32 [tilespmem:s15], [sflag:$0x1], $0x1, s19, s14, $0xb8;
	[tilespmem:$0xA98] =	vst v63  }
.Ltmp4:
0x5f: {  	_ = 	snop;
	(pc) =	sbr.rel @p0 .LBB2_10-.Ltmp4, $4  }
0x60: {  	_ = 	snop  }
0x61: {  	s18 =	sadd.s32 $0x140, s18  }
0x62: {  	_ =	swait.ge [sflag:s13], $0x50  }
0x63: {  	[sflag:s13] =	ssyncset.done $0x0  }
0x64: {  	s17 =	sadd.s32 $0x1, s17  }
0x65: {  	[sflag:s13] =	ssyncadd.s32 $0xFFFFFFB0;
	p0 =	sne.s32 s17, s7  }
.Ltmp5:
0x66: {  	[bflag:$0x0] =	sbarrier.arrive $0xFFFF;
	(pc) =	sbr.rel @p0 .LBB2_1-.Ltmp5, $4  }
0x67: {  	[hbm:s16], [sflag:s5] =	dma.local [spmem:s12], $0x4F  }
0x68: {  	_ =	swait.ge [sflag:s13], $0x4F  }
0x69: {  	[sflag:s13] =	ssyncset.done $0x0  }
0x6a: {  	[sflag:s13] =	ssyncadd.s32 $0xFFFFFFB1  }
0x6b: {  	_ =	sfence.sel $0x180000  }
0x6c: {  	[bflag:$0x0] =	sbarrier.arrive $0xFFFF  }
0x6d: {  	p0 =	sne.s32 s1, $0x0;
	_ =	strace $0x90000047  }
0x6e: {  	s0 =	sadd.s32 @!p0 $0x100000, s0;
	[bflag:$0x2] =	sbarrier.arrive $0xFFFF  }
0x6f: {  	[sflag:s0] =	ssyncadd.tile.s32 @!p0 $0x1;
	_ =	shalt  }
.Lfunc_end2:
_tile_overlayer_lowered:
.L_overlay_start_2:
0x70: {  	(tag) =	ssettag $0x2  }
0x71: {  	s0 =	rddreg [dreg:$0x0];
	s2 =	stileid.u32  }
0x72: {  	s1 =	rddreg [dreg:$0x1];
	p0 =	sne.s32 s2, $0x0  }
0x73: {  	s3 =	rddreg [dreg:$0x2];
	[bflag:$0x3] =	sbarrier.arrive $0xFFFF;
	s2 =	simm.s32 @!p0 $0x1C01  }
0x74: {  	[timem:s3], [sflag:s2] =	dma.local @!p0 [hbm:s0], s1  }
0x75: {  	s0 =	simm.s32 @!p0 $0x1  }
0x76: {  	_ =	swait.ge @!p0 [sflag:s0], s1  }
0x77: {  	s1 =	ssub.s32 @!p0 $0x0, s1;
	[sflag:s0] =	ssyncset.done @!p0 $0x0  }
0x78: {  	[sflag:s0] =	ssyncadd.s32 @!p0 s1  }
0x79: {  	[bflag:$0x3] =	sbarrier.arrive $0xFFFF  }
0x7a: {  	_ =	shalt  }

</sc_bundles>
